<compile_context>
chip_gen: v7x
topology: tpu7x:2x2x1
jax: 0.10.2.dev20260603
libtpu: 0.0.44.dev20260713+nightly
codegen_flags: <defaults>
</compile_context>

<pallas_src>
import functools

import jax
import jax.numpy as jnp
from jax import lax
from jax.experimental import pallas as pl
from jax.experimental.pallas import tpu as pltpu
from jax.experimental.pallas import tpu_sc as plsc

_N = 1024
_D = 128
_B = 16384
_NC = 2
_NS = 16
_NW = _NC * _NS
_BPW = _B // _NW
_CHUNK = 64
_NCHUNK = _BPW // _CHUNK
_LANES = 16
_DPT = _N // _NS


_mesh = plsc.VectorSubcoreMesh(core_axis_name="c", subcore_axis_name="s",
                               num_cores=_NC, num_subcores=_NS)


@functools.partial(
    pl.kernel,
    out_type=jax.ShapeDtypeStruct((_B, _D), jnp.float32),
    mesh=_mesh,
    scratch_types=[
        pltpu.VMEM((_DPT,), jnp.int32),
        pltpu.VMEM((_DPT, _D), jnp.float32),
        pltpu.VMEM((_BPW,), jnp.int32),
        pltpu.VMEM((_BPW, _D), jnp.float32),
        pltpu.VMEM_SHARED((_N, _D), jnp.float32),
        [pltpu.SemaphoreType.DMA] * _NCHUNK,
        pltpu.SemaphoreType.DMA,
        pltpu.SemaphoreType.DMA,
    ],
)
def _diag_gather(table_hbm, idx_hbm, out_hbm,
                 didx_v, stage_v, idx_v, rows_v, diag_sh,
                 sems_g, sem_w, sem_s):
    cid = lax.axis_index("c")
    sid = lax.axis_index("s")
    wid = sid * _NC + cid
    base = wid * _BPW

    idx_cp = pltpu.async_copy(idx_hbm.at[pl.ds(base, _BPW)], idx_v, sem_w)

    for c in range(_DPT // _LANES):
        sl = pl.ds(c * _LANES, _LANES)
        didx_v[sl] = (lax.iota(jnp.int32, _LANES)
                      + (sid * _DPT + c * _LANES)) * (_N + 1)
    half = _DPT // 2
    st_a = pltpu.async_copy(table_hbm.at[didx_v.at[pl.ds(0, half)]],
                            stage_v.at[pl.ds(0, half)], sem_s)
    st_b = pltpu.async_copy(table_hbm.at[didx_v.at[pl.ds(half, half)]],
                            stage_v.at[pl.ds(half, half)], sems_g[0])
    st_a.wait()
    cp_a = pltpu.async_copy(stage_v.at[pl.ds(0, half)],
                            diag_sh.at[pl.ds(sid * _DPT, half)], sems_g[1])
    st_b.wait()
    cp_b = pltpu.async_copy(stage_v.at[pl.ds(half, half)],
                            diag_sh.at[pl.ds(sid * _DPT + half, half)], sems_g[2])
    cp_a.wait()
    cp_b.wait()
    idx_cp.wait()
    plsc.subcore_barrier()

    gathers = [
        pltpu.async_copy(
            diag_sh.at[idx_v.at[pl.ds(j * _CHUNK, _CHUNK)]],
            rows_v.at[pl.ds(j * _CHUNK, _CHUNK)],
            sems_g[j],
        )
        for j in range(_NCHUNK)
    ]
    writes = []
    for j in range(_NCHUNK):
        gathers[j].wait()
        writes.append(
            pltpu.async_copy(
                rows_v.at[pl.ds(j * _CHUNK, _CHUNK)],
                out_hbm.at[pl.ds(base + j * _CHUNK, _CHUNK)],
                sem_w,
            )
        )
    for w in writes:
        w.wait()


def kernel(t, idx):
    table = t.reshape(_N * _N, _D)
    return _diag_gather(table, idx.astype(jnp.int32))

# --- scband reference (transcript-rebuilt; emitter-appended) ---
"""Pipeline reference for scband-index-model2-34153579938277 (READ-ONLY COPY).

The authoritative reference and input builder live on the scoring server;
editing this copy changes nothing except your own understanding.
"""

import jax, jax.numpy as jnp
import numpy as np

def setup_inputs(seed: int = 0) -> dict:
    key = jax.random.key(seed)
    k1, k2 = jax.random.split(key)
    t = jax.random.normal(k1, (1024, 1024, 128), dtype=jnp.float32)
    idx = jax.random.randint(k2, (16384,), 0, 1024, dtype=jnp.int64 if jax.config.read('jax_enable_x64') else jnp.int32)
    return {"t": t, "idx": idx}

def reference(t, idx):
    # t[idx, idx]: simultaneous advanced indexing on first two dims -> diagonal gather
    return t[idx, idx]

if __name__ == "__main__":
    import jax
    _d = setup_inputs()
    print(jax.jit(kernel)(*tuple(_d.values())))

</pallas_src>

<mosaic_0001>
#map = affine_map<(d0, d1) -> (0, 0)>
#map1 = affine_map<(d0, d1) -> (0)>
module attributes {stable_mosaic.version = 14 : i64} {
  func.func @_diag_gather(%arg0: i32, %arg1: i32, %arg2: memref<1048576x128xf32, #tpu.memory_space<hbm>>, %arg3: memref<16384xi32, #tpu.memory_space<hbm>>, %arg4: memref<16384x128xf32, #tpu.memory_space<hbm>>, %arg5: memref<64xi32, #tpu.memory_space<vmem>>, %arg6: memref<64x128xf32, #tpu.memory_space<vmem>>, %arg7: memref<512xi32, #tpu.memory_space<vmem>>, %arg8: memref<512x128xf32, #tpu.memory_space<vmem>>, %arg9: memref<1024x128xf32, #tpu.memory_space<vmem_shared>>, %arg10: memref<!tpu.dma_semaphore, #tpu.memory_space<semaphore_mem>>, %arg11: memref<!tpu.dma_semaphore, #tpu.memory_space<semaphore_mem>>, %arg12: memref<!tpu.dma_semaphore, #tpu.memory_space<semaphore_mem>>, %arg13: memref<!tpu.dma_semaphore, #tpu.memory_space<semaphore_mem>>, %arg14: memref<!tpu.dma_semaphore, #tpu.memory_space<semaphore_mem>>, %arg15: memref<!tpu.dma_semaphore, #tpu.memory_space<semaphore_mem>>, %arg16: memref<!tpu.dma_semaphore, #tpu.memory_space<semaphore_mem>>, %arg17: memref<!tpu.dma_semaphore, #tpu.memory_space<semaphore_mem>>, %arg18: memref<!tpu.dma_semaphore, #tpu.memory_space<semaphore_mem>>, %arg19: memref<!tpu.dma_semaphore, #tpu.memory_space<semaphore_mem>>) attributes {dimension_semantics = [#tpu.dimension_semantics<core_parallel>, #tpu.dimension_semantics<subcore_parallel>], iteration_bounds = array<i64: 2, 16>, scalar_prefetch = 0 : i64, scratch_operands = 15 : i64, tpu.core_type = #tpu.core_type<sc_vector_subcore>, window_params = [{transform_indices = #map}, {transform_indices = #map1}, {transform_indices = #map}]} {
    %mul3A = arith.constant 2 : i32
    %mul3A_0 = arith.muli %arg1, %mul3A : i32
    %add3A = arith.addi %mul3A_0, %arg0 : i32
    %mul3A_1 = arith.constant 512 : i32
    %mul3A_2 = arith.muli %add3A, %mul3A_1 : i32
    %dma_start3A = tpu.memref_slice %arg3[%mul3A_2] : memref<16384xi32, #tpu.memory_space<hbm>> -> memref<512xi32, #tpu.memory_space<hbm>>
    %dma_start3A_3 = tpu.memref_slice %arg3[%mul3A_2] : memref<16384xi32, #tpu.memory_space<hbm>> -> memref<512xi32, #tpu.memory_space<hbm>>
    tpu.enqueue_dma source(%dma_start3A_3 : memref<512xi32, #tpu.memory_space<hbm>>) target(%arg7 : memref<512xi32, #tpu.memory_space<vmem>>) target_semaphore(%arg18 : memref<!tpu.dma_semaphore, #tpu.memory_space<semaphore_mem>>)
    %iota3A = tpu.iota {dimensions = array<i32: 0>} : vector<16xi32>
    %mul3A_4 = arith.constant 64 : i32
    %mul3A_5 = arith.muli %arg1, %mul3A_4 : i32
    %add3A_6 = arith.constant 0 : i32
    %add3A_7 = arith.addi %mul3A_5, %add3A_6 : i32
    %add3A_8 = vector.broadcast %add3A_7 : i32 to vector<16xi32>
    %add3A_9 = arith.addi %iota3A, %add3A_8 : vector<16xi32>
    %mul3A_10 = arith.constant 1025 : i32
    %mul3A_11 = vector.broadcast %mul3A_10 : i32 to vector<16xi32>
    %mul3A_12 = arith.muli %add3A_9, %mul3A_11 : vector<16xi32>
    %swap3A = arith.constant 0 : index
    %swap3A_13 = tpu.vector_load %arg5[%swap3A] {strides = array<i32>} : memref<64xi32, #tpu.memory_space<vmem>>, vector<16xi32>,
    %swap3A_14 = vector.shape_cast %swap3A_13 : vector<16xi32> to vector<16xi32>
    %swap3A_15 = vector.shape_cast %mul3A_12 : vector<16xi32> to vector<16xi32>
    tpu.vector_store %arg5[%swap3A], %swap3A_15 {strides = array<i32>} : memref<64xi32, #tpu.memory_space<vmem>>, vector<16xi32>,
    %iota3A_16 = tpu.iota {dimensions = array<i32: 0>} : vector<16xi32>
    %mul3A_17 = arith.constant 64 : i32
    %mul3A_18 = arith.muli %arg1, %mul3A_17 : i32
    %add3A_19 = arith.constant 16 : i32
    %add3A_20 = arith.addi %mul3A_18, %add3A_19 : i32
    %add3A_21 = vector.broadcast %add3A_20 : i32 to vector<16xi32>
    %add3A_22 = arith.addi %iota3A_16, %add3A_21 : vector<16xi32>
    %mul3A_23 = arith.constant 1025 : i32
    %mul3A_24 = vector.broadcast %mul3A_23 : i32 to vector<16xi32>
    %mul3A_25 = arith.muli %add3A_22, %mul3A_24 : vector<16xi32>
    %swap3A_26 = arith.constant 16 : index
    %swap3A_27 = tpu.vector_load %arg5[%swap3A_26] {strides = array<i32>} : memref<64xi32, #tpu.memory_space<vmem>>, vector<16xi32>,
    %swap3A_28 = vector.shape_cast %swap3A_27 : vector<16xi32> to vector<16xi32>
    %swap3A_29 = vector.shape_cast %mul3A_25 : vector<16xi32> to vector<16xi32>
    tpu.vector_store %arg5[%swap3A_26], %swap3A_29 {strides = array<i32>} : memref<64xi32, #tpu.memory_space<vmem>>, vector<16xi32>,
    %iota3A_30 = tpu.iota {dimensions = array<i32: 0>} : vector<16xi32>
    %mul3A_31 = arith.constant 64 : i32
    %mul3A_32 = arith.muli %arg1, %mul3A_31 : i32
    %add3A_33 = arith.constant 32 : i32
    %add3A_34 = arith.addi %mul3A_32, %add3A_33 : i32
    %add3A_35 = vector.broadcast %add3A_34 : i32 to vector<16xi32>
    %add3A_36 = arith.addi %iota3A_30, %add3A_35 : vector<16xi32>
    %mul3A_37 = arith.constant 1025 : i32
    %mul3A_38 = vector.broadcast %mul3A_37 : i32 to vector<16xi32>
    %mul3A_39 = arith.muli %add3A_36, %mul3A_38 : vector<16xi32>
    %swap3A_40 = arith.constant 32 : index
    %swap3A_41 = tpu.vector_load %arg5[%swap3A_40] {strides = array<i32>} : memref<64xi32, #tpu.memory_space<vmem>>, vector<16xi32>,
    %swap3A_42 = vector.shape_cast %swap3A_41 : vector<16xi32> to vector<16xi32>
    %swap3A_43 = vector.shape_cast %mul3A_39 : vector<16xi32> to vector<16xi32>
    tpu.vector_store %arg5[%swap3A_40], %swap3A_43 {strides = array<i32>} : memref<64xi32, #tpu.memory_space<vmem>>, vector<16xi32>,
    %iota3A_44 = tpu.iota {dimensions = array<i32: 0>} : vector<16xi32>
    %mul3A_45 = arith.constant 64 : i32
    %mul3A_46 = arith.muli %arg1, %mul3A_45 : i32
    %add3A_47 = arith.constant 48 : i32
    %add3A_48 = arith.addi %mul3A_46, %add3A_47 : i32
    %add3A_49 = vector.broadcast %add3A_48 : i32 to vector<16xi32>
    %add3A_50 = arith.addi %iota3A_44, %add3A_49 : vector<16xi32>
    %mul3A_51 = arith.constant 1025 : i32
    %mul3A_52 = vector.broadcast %mul3A_51 : i32 to vector<16xi32>
    %mul3A_53 = arith.muli %add3A_50, %mul3A_52 : vector<16xi32>
    %swap3A_54 = arith.constant 48 : index
    %swap3A_55 = tpu.vector_load %arg5[%swap3A_54] {strides = array<i32>} : memref<64xi32, #tpu.memory_space<vmem>>, vector<16xi32>,
    %swap3A_56 = vector.shape_cast %swap3A_55 : vector<16xi32> to vector<16xi32>
    %swap3A_57 = vector.shape_cast %mul3A_53 : vector<16xi32> to vector<16xi32>
    tpu.vector_store %arg5[%swap3A_54], %swap3A_57 {strides = array<i32>} : memref<64xi32, #tpu.memory_space<vmem>>, vector<16xi32>,
    %dma_start3A_58 = arith.constant 0 : i32
    %dma_start3A_59 = arith.constant 0 : i32
    %dma_start3A_60 = tpu.memref_slice %arg6[%dma_start3A_58, %dma_start3A_59] : memref<64x128xf32, #tpu.memory_space<vmem>> -> memref<32x128xf32, #tpu.memory_space<vmem>>
    %dma_start3A_61 = arith.constant 0 : i32
    %dma_start3A_62 = tpu.memref_slice %arg5[%dma_start3A_61] : memref<64xi32, #tpu.memory_space<vmem>> -> memref<32xi32, #tpu.memory_space<vmem>>
    %dma_start3A_63 = arith.constant 0 : i32
    %dma_start3A_64 = arith.constant 0 : i32
    %dma_start3A_65 = tpu.memref_slice %arg2[%dma_start3A_63, %dma_start3A_64] : memref<1048576x128xf32, #tpu.memory_space<hbm>> -> memref<1048576x128xf32, #tpu.memory_space<hbm>>
    tpu.enqueue_indirect_dma source(%dma_start3A_65 : memref<1048576x128xf32, #tpu.memory_space<hbm>>) target(%dma_start3A_60 : memref<32x128xf32, #tpu.memory_space<vmem>>) offsets(%dma_start3A_62 : memref<32xi32, #tpu.memory_space<vmem>>) semaphore(%arg19 : memref<!tpu.dma_semaphore, #tpu.memory_space<semaphore_mem>>)
    %dma_start3A_66 = arith.constant 32 : i32
    %dma_start3A_67 = arith.constant 0 : i32
    %dma_start3A_68 = tpu.memref_slice %arg6[%dma_start3A_66, %dma_start3A_67] : memref<64x128xf32, #tpu.memory_space<vmem>> -> memref<32x128xf32, #tpu.memory_space<vmem>>
    %dma_start3A_69 = arith.constant 32 : i32
    %dma_start3A_70 = tpu.memref_slice %arg5[%dma_start3A_69] : memref<64xi32, #tpu.memory_space<vmem>> -> memref<32xi32, #tpu.memory_space<vmem>>
    %dma_start3A_71 = arith.constant 0 : i32
    %dma_start3A_72 = arith.constant 0 : i32
    %dma_start3A_73 = tpu.memref_slice %arg2[%dma_start3A_71, %dma_start3A_72] : memref<1048576x128xf32, #tpu.memory_space<hbm>> -> memref<1048576x128xf32, #tpu.memory_space<hbm>>
    tpu.enqueue_indirect_dma source(%dma_start3A_73 : memref<1048576x128xf32, #tpu.memory_space<hbm>>) target(%dma_start3A_68 : memref<32x128xf32, #tpu.memory_space<vmem>>) offsets(%dma_start3A_70 : memref<32xi32, #tpu.memory_space<vmem>>) semaphore(%arg10 : memref<!tpu.dma_semaphore, #tpu.memory_space<semaphore_mem>>)
    %dma_wait3A = arith.constant 0 : i32
    %dma_wait3A_74 = arith.constant 0 : i32
    %dma_wait3A_75 = tpu.memref_slice %arg6[%dma_wait3A, %dma_wait3A_74] : memref<64x128xf32, #tpu.memory_space<vmem>> -> memref<32x128xf32, #tpu.memory_space<vmem>>
    %dma_wait3A_76 = arith.constant 0 : i32
    %dma_wait3A_77 = tpu.memref_slice %arg5[%dma_wait3A_76] : memref<64xi32, #tpu.memory_space<vmem>> -> memref<32xi32, #tpu.memory_space<vmem>>
    %dma_wait3A_78 = arith.constant 0 : i32
    %dma_wait3A_79 = arith.constant 0 : i32
    %dma_wait3A_80 = tpu.memref_slice %arg2[%dma_wait3A_78, %dma_wait3A_79] : memref<1048576x128xf32, #tpu.memory_space<hbm>> -> memref<1048576x128xf32, #tpu.memory_space<hbm>>
    tpu.wait_indirect_dma semaphore(%arg19 : memref<!tpu.dma_semaphore, #tpu.memory_space<semaphore_mem>>) src(%dma_wait3A_80 : memref<1048576x128xf32, #tpu.memory_space<hbm>>) dst(%dma_wait3A_75 : memref<32x128xf32, #tpu.memory_space<vmem>>)
    %mul3A_81 = arith.constant 64 : i32
    %mul3A_82 = arith.muli %arg1, %mul3A_81 : i32
    %dma_start3A_83 = arith.constant 0 : i32
    %dma_start3A_84 = arith.constant 0 : i32
    %dma_start3A_85 = tpu.memref_slice %arg6[%dma_start3A_83, %dma_start3A_84] : memref<64x128xf32, #tpu.memory_space<vmem>> -> memref<32x128xf32, #tpu.memory_space<vmem>>
    %dma_start3A_86 = arith.constant 0 : i32
    %dma_start3A_87 = tpu.memref_slice %arg9[%mul3A_82, %dma_start3A_86] : memref<1024x128xf32, #tpu.memory_space<vmem_shared>> -> memref<32x128xf32, #tpu.memory_space<vmem_shared>>
    %dma_start3A_88 = arith.constant 0 : i32
    %dma_start3A_89 = tpu.memref_slice %arg9[%mul3A_82, %dma_start3A_88] : memref<1024x128xf32, #tpu.memory_space<vmem_shared>> -> memref<32x128xf32, #tpu.memory_space<vmem_shared>>
    %dma_start3A_90 = arith.constant 0 : i32
    %dma_start3A_91 = arith.constant 0 : i32
    %dma_start3A_92 = tpu.memref_slice %arg6[%dma_start3A_90, %dma_start3A_91] : memref<64x128xf32, #tpu.memory_space<vmem>> -> memref<32x128xf32, #tpu.memory_space<vmem>>
    tpu.enqueue_dma source(%dma_start3A_92 : memref<32x128xf32, #tpu.memory_space<vmem>>) target(%dma_start3A_89 : memref<32x128xf32, #tpu.memory_space<vmem_shared>>) target_semaphore(%arg11 : memref<!tpu.dma_semaphore, #tpu.memory_space<semaphore_mem>>)
    %dma_wait3A_93 = arith.constant 32 : i32
    %dma_wait3A_94 = arith.constant 0 : i32
    %dma_wait3A_95 = tpu.memref_slice %arg6[%dma_wait3A_93, %dma_wait3A_94] : memref<64x128xf32, #tpu.memory_space<vmem>> -> memref<32x128xf32, #tpu.memory_space<vmem>>
    %dma_wait3A_96 = arith.constant 32 : i32
    %dma_wait3A_97 = tpu.memref_slice %arg5[%dma_wait3A_96] : memref<64xi32, #tpu.memory_space<vmem>> -> memref<32xi32, #tpu.memory_space<vmem>>
    %dma_wait3A_98 = arith.constant 0 : i32
    %dma_wait3A_99 = arith.constant 0 : i32
    %dma_wait3A_100 = tpu.memref_slice %arg2[%dma_wait3A_98, %dma_wait3A_99] : memref<1048576x128xf32, #tpu.memory_space<hbm>> -> memref<1048576x128xf32, #tpu.memory_space<hbm>>
    tpu.wait_indirect_dma semaphore(%arg10 : memref<!tpu.dma_semaphore, #tpu.memory_space<semaphore_mem>>) src(%dma_wait3A_100 : memref<1048576x128xf32, #tpu.memory_space<hbm>>) dst(%dma_wait3A_95 : memref<32x128xf32, #tpu.memory_space<vmem>>)
    %mul3A_101 = arith.constant 64 : i32
    %mul3A_102 = arith.muli %arg1, %mul3A_101 : i32
    %add3A_103 = arith.constant 32 : i32
    %add3A_104 = arith.addi %mul3A_102, %add3A_103 : i32
    %dma_start3A_105 = arith.constant 32 : i32
    %dma_start3A_106 = arith.constant 0 : i32
    %dma_start3A_107 = tpu.memref_slice %arg6[%dma_start3A_105, %dma_start3A_106] : memref<64x128xf32, #tpu.memory_space<vmem>> -> memref<32x128xf32, #tpu.memory_space<vmem>>
    %dma_start3A_108 = arith.constant 0 : i32
    %dma_start3A_109 = tpu.memref_slice %arg9[%add3A_104, %dma_start3A_108] : memref<1024x128xf32, #tpu.memory_space<vmem_shared>> -> memref<32x128xf32, #tpu.memory_space<vmem_shared>>
    %dma_start3A_110 = arith.constant 0 : i32
    %dma_start3A_111 = tpu.memref_slice %arg9[%add3A_104, %dma_start3A_110] : memref<1024x128xf32, #tpu.memory_space<vmem_shared>> -> memref<32x128xf32, #tpu.memory_space<vmem_shared>>
    %dma_start3A_112 = arith.constant 32 : i32
    %dma_start3A_113 = arith.constant 0 : i32
    %dma_start3A_114 = tpu.memref_slice %arg6[%dma_start3A_112, %dma_start3A_113] : memref<64x128xf32, #tpu.memory_space<vmem>> -> memref<32x128xf32, #tpu.memory_space<vmem>>
    tpu.enqueue_dma source(%dma_start3A_114 : memref<32x128xf32, #tpu.memory_space<vmem>>) target(%dma_start3A_111 : memref<32x128xf32, #tpu.memory_space<vmem_shared>>) target_semaphore(%arg12 : memref<!tpu.dma_semaphore, #tpu.memory_space<semaphore_mem>>)
    %dma_wait3A_115 = arith.constant 0 : i32
    %dma_wait3A_116 = arith.constant 0 : i32
    %dma_wait3A_117 = tpu.memref_slice %arg6[%dma_wait3A_115, %dma_wait3A_116] : memref<64x128xf32, #tpu.memory_space<vmem>> -> memref<32x128xf32, #tpu.memory_space<vmem>>
    %dma_wait3A_118 = arith.constant 0 : i32
    %dma_wait3A_119 = tpu.memref_slice %arg9[%mul3A_82, %dma_wait3A_118] : memref<1024x128xf32, #tpu.memory_space<vmem_shared>> -> memref<32x128xf32, #tpu.memory_space<vmem_shared>>
    %dma_wait3A_120 = arith.constant 0 : i32
    %dma_wait3A_121 = tpu.memref_slice %arg9[%mul3A_82, %dma_wait3A_120] : memref<1024x128xf32, #tpu.memory_space<vmem_shared>> -> memref<32x128xf32, #tpu.memory_space<vmem_shared>>
    %dma_wait3A_122 = arith.constant 0 : i32
    %dma_wait3A_123 = arith.constant 0 : i32
    %dma_wait3A_124 = tpu.memref_slice %arg6[%dma_wait3A_122, %dma_wait3A_123] : memref<64x128xf32, #tpu.memory_space<vmem>> -> memref<32x128xf32, #tpu.memory_space<vmem>>
    tpu.wait_dma2 semaphore(%arg11 : memref<!tpu.dma_semaphore, #tpu.memory_space<semaphore_mem>>) src(%dma_wait3A_124 : memref<32x128xf32, #tpu.memory_space<vmem>>) dst(%dma_wait3A_121 : memref<32x128xf32, #tpu.memory_space<vmem_shared>>)
    %dma_wait3A_125 = arith.constant 32 : i32
    %dma_wait3A_126 = arith.constant 0 : i32
    %dma_wait3A_127 = tpu.memref_slice %arg6[%dma_wait3A_125, %dma_wait3A_126] : memref<64x128xf32, #tpu.memory_space<vmem>> -> memref<32x128xf32, #tpu.memory_space<vmem>>
    %dma_wait3A_128 = arith.constant 0 : i32
    %dma_wait3A_129 = tpu.memref_slice %arg9[%add3A_104, %dma_wait3A_128] : memref<1024x128xf32, #tpu.memory_space<vmem_shared>> -> memref<32x128xf32, #tpu.memory_space<vmem_shared>>
    %dma_wait3A_130 = arith.constant 0 : i32
    %dma_wait3A_131 = tpu.memref_slice %arg9[%add3A_104, %dma_wait3A_130] : memref<1024x128xf32, #tpu.memory_space<vmem_shared>> -> memref<32x128xf32, #tpu.memory_space<vmem_shared>>
    %dma_wait3A_132 = arith.constant 32 : i32
    %dma_wait3A_133 = arith.constant 0 : i32
    %dma_wait3A_134 = tpu.memref_slice %arg6[%dma_wait3A_132, %dma_wait3A_133] : memref<64x128xf32, #tpu.memory_space<vmem>> -> memref<32x128xf32, #tpu.memory_space<vmem>>
    tpu.wait_dma2 semaphore(%arg12 : memref<!tpu.dma_semaphore, #tpu.memory_space<semaphore_mem>>) src(%dma_wait3A_134 : memref<32x128xf32, #tpu.memory_space<vmem>>) dst(%dma_wait3A_131 : memref<32x128xf32, #tpu.memory_space<vmem_shared>>)
    %dma_wait3A_135 = tpu.memref_slice %arg3[%mul3A_2] : memref<16384xi32, #tpu.memory_space<hbm>> -> memref<512xi32, #tpu.memory_space<hbm>>
    %dma_wait3A_136 = tpu.memref_slice %arg3[%mul3A_2] : memref<16384xi32, #tpu.memory_space<hbm>> -> memref<512xi32, #tpu.memory_space<hbm>>
    tpu.wait_dma2 semaphore(%arg18 : memref<!tpu.dma_semaphore, #tpu.memory_space<semaphore_mem>>) src(%dma_wait3A_136 : memref<512xi32, #tpu.memory_space<hbm>>) dst(%arg7 : memref<512xi32, #tpu.memory_space<vmem>>)
    %barrier3A = arith.constant 0 : index
    tpu.barrier barrier_id(%barrier3A)
    %dma_start3A_137 = arith.constant 0 : i32
    %dma_start3A_138 = arith.constant 0 : i32
    %dma_start3A_139 = tpu.memref_slice %arg8[%dma_start3A_137, %dma_start3A_138] : memref<512x128xf32, #tpu.memory_space<vmem>> -> memref<64x128xf32, #tpu.memory_space<vmem>>
    %dma_start3A_140 = arith.constant 0 : i32
    %dma_start3A_141 = tpu.memref_slice %arg7[%dma_start3A_140] : memref<512xi32, #tpu.memory_space<vmem>> -> memref<64xi32, #tpu.memory_space<vmem>>
    %dma_start3A_142 = arith.constant 0 : i32
    %dma_start3A_143 = arith.constant 0 : i32
    %dma_start3A_144 = tpu.memref_slice %arg9[%dma_start3A_142, %dma_start3A_143] : memref<1024x128xf32, #tpu.memory_space<vmem_shared>> -> memref<1024x128xf32, #tpu.memory_space<vmem_shared>>
    tpu.enqueue_indirect_dma source(%dma_start3A_144 : memref<1024x128xf32, #tpu.memory_space<vmem_shared>>) target(%dma_start3A_139 : memref<64x128xf32, #tpu.memory_space<vmem>>) offsets(%dma_start3A_141 : memref<64xi32, #tpu.memory_space<vmem>>) semaphore(%arg10 : memref<!tpu.dma_semaphore, #tpu.memory_space<semaphore_mem>>)
    %dma_start3A_145 = arith.constant 64 : i32
    %dma_start3A_146 = arith.constant 0 : i32
    %dma_start3A_147 = tpu.memref_slice %arg8[%dma_start3A_145, %dma_start3A_146] : memref<512x128xf32, #tpu.memory_space<vmem>> -> memref<64x128xf32, #tpu.memory_space<vmem>>
    %dma_start3A_148 = arith.constant 64 : i32
    %dma_start3A_149 = tpu.memref_slice %arg7[%dma_start3A_148] : memref<512xi32, #tpu.memory_space<vmem>> -> memref<64xi32, #tpu.memory_space<vmem>>
    %dma_start3A_150 = arith.constant 0 : i32
    %dma_start3A_151 = arith.constant 0 : i32
    %dma_start3A_152 = tpu.memref_slice %arg9[%dma_start3A_150, %dma_start3A_151] : memref<1024x128xf32, #tpu.memory_space<vmem_shared>> -> memref<1024x128xf32, #tpu.memory_space<vmem_shared>>
    tpu.enqueue_indirect_dma source(%dma_start3A_152 : memref<1024x128xf32, #tpu.memory_space<vmem_shared>>) target(%dma_start3A_147 : memref<64x128xf32, #tpu.memory_space<vmem>>) offsets(%dma_start3A_149 : memref<64xi32, #tpu.memory_space<vmem>>) semaphore(%arg11 : memref<!tpu.dma_semaphore, #tpu.memory_space<semaphore_mem>>)
    %dma_start3A_153 = arith.constant 128 : i32
    %dma_start3A_154 = arith.constant 0 : i32
    %dma_start3A_155 = tpu.memref_slice %arg8[%dma_start3A_153, %dma_start3A_154] : memref<512x128xf32, #tpu.memory_space<vmem>> -> memref<64x128xf32, #tpu.memory_space<vmem>>
    %dma_start3A_156 = arith.constant 128 : i32
    %dma_start3A_157 = tpu.memref_slice %arg7[%dma_start3A_156] : memref<512xi32, #tpu.memory_space<vmem>> -> memref<64xi32, #tpu.memory_space<vmem>>
    %dma_start3A_158 = arith.constant 0 : i32
    %dma_start3A_159 = arith.constant 0 : i32
    %dma_start3A_160 = tpu.memref_slice %arg9[%dma_start3A_158, %dma_start3A_159] : memref<1024x128xf32, #tpu.memory_space<vmem_shared>> -> memref<1024x128xf32, #tpu.memory_space<vmem_shared>>
    tpu.enqueue_indirect_dma source(%dma_start3A_160 : memref<1024x128xf32, #tpu.memory_space<vmem_shared>>) target(%dma_start3A_155 : memref<64x128xf32, #tpu.memory_space<vmem>>) offsets(%dma_start3A_157 : memref<64xi32, #tpu.memory_space<vmem>>) semaphore(%arg12 : memref<!tpu.dma_semaphore, #tpu.memory_space<semaphore_mem>>)
    %dma_start3A_161 = arith.constant 192 : i32
    %dma_start3A_162 = arith.constant 0 : i32
    %dma_start3A_163 = tpu.memref_slice %arg8[%dma_start3A_161, %dma_start3A_162] : memref<512x128xf32, #tpu.memory_space<vmem>> -> memref<64x128xf32, #tpu.memory_space<vmem>>
    %dma_start3A_164 = arith.constant 192 : i32
    %dma_start3A_165 = tpu.memref_slice %arg7[%dma_start3A_164] : memref<512xi32, #tpu.memory_space<vmem>> -> memref<64xi32, #tpu.memory_space<vmem>>
    %dma_start3A_166 = arith.constant 0 : i32
    %dma_start3A_167 = arith.constant 0 : i32
    %dma_start3A_168 = tpu.memref_slice %arg9[%dma_start3A_166, %dma_start3A_167] : memref<1024x128xf32, #tpu.memory_space<vmem_shared>> -> memref<1024x128xf32, #tpu.memory_space<vmem_shared>>
    tpu.enqueue_indirect_dma source(%dma_start3A_168 : memref<1024x128xf32, #tpu.memory_space<vmem_shared>>) target(%dma_start3A_163 : memref<64x128xf32, #tpu.memory_space<vmem>>) offsets(%dma_start3A_165 : memref<64xi32, #tpu.memory_space<vmem>>) semaphore(%arg13 : memref<!tpu.dma_semaphore, #tpu.memory_space<semaphore_mem>>)
    %dma_start3A_169 = arith.constant 256 : i32
    %dma_start3A_170 = arith.constant 0 : i32
    %dma_start3A_171 = tpu.memref_slice %arg8[%dma_start3A_169, %dma_start3A_170] : memref<512x128xf32, #tpu.memory_space<vmem>> -> memref<64x128xf32, #tpu.memory_space<vmem>>
    %dma_start3A_172 = arith.constant 256 : i32
    %dma_start3A_173 = tpu.memref_slice %arg7[%dma_start3A_172] : memref<512xi32, #tpu.memory_space<vmem>> -> memref<64xi32, #tpu.memory_space<vmem>>
    %dma_start3A_174 = arith.constant 0 : i32
    %dma_start3A_175 = arith.constant 0 : i32
    %dma_start3A_176 = tpu.memref_slice %arg9[%dma_start3A_174, %dma_start3A_175] : memref<1024x128xf32, #tpu.memory_space<vmem_shared>> -> memref<1024x128xf32, #tpu.memory_space<vmem_shared>>
    tpu.enqueue_indirect_dma source(%dma_start3A_176 : memref<1024x128xf32, #tpu.memory_space<vmem_shared>>) target(%dma_start3A_171 : memref<64x128xf32, #tpu.memory_space<vmem>>) offsets(%dma_start3A_173 : memref<64xi32, #tpu.memory_space<vmem>>) semaphore(%arg14 : memref<!tpu.dma_semaphore, #tpu.memory_space<semaphore_mem>>)
    %dma_start3A_177 = arith.constant 320 : i32
    %dma_start3A_178 = arith.constant 0 : i32
    %dma_start3A_179 = tpu.memref_slice %arg8[%dma_start3A_177, %dma_start3A_178] : memref<512x128xf32, #tpu.memory_space<vmem>> -> memref<64x128xf32, #tpu.memory_space<vmem>>
    %dma_start3A_180 = arith.constant 320 : i32
    %dma_start3A_181 = tpu.memref_slice %arg7[%dma_start3A_180] : memref<512xi32, #tpu.memory_space<vmem>> -> memref<64xi32, #tpu.memory_space<vmem>>
    %dma_start3A_182 = arith.constant 0 : i32
    %dma_start3A_183 = arith.constant 0 : i32
    %dma_start3A_184 = tpu.memref_slice %arg9[%dma_start3A_182, %dma_start3A_183] : memref<1024x128xf32, #tpu.memory_space<vmem_shared>> -> memref<1024x128xf32, #tpu.memory_space<vmem_shared>>
    tpu.enqueue_indirect_dma source(%dma_start3A_184 : memref<1024x128xf32, #tpu.memory_space<vmem_shared>>) target(%dma_start3A_179 : memref<64x128xf32, #tpu.memory_space<vmem>>) offsets(%dma_start3A_181 : memref<64xi32, #tpu.memory_space<vmem>>) semaphore(%arg15 : memref<!tpu.dma_semaphore, #tpu.memory_space<semaphore_mem>>)
    %dma_start3A_185 = arith.constant 384 : i32
    %dma_start3A_186 = arith.constant 0 : i32
    %dma_start3A_187 = tpu.memref_slice %arg8[%dma_start3A_185, %dma_start3A_186] : memref<512x128xf32, #tpu.memory_space<vmem>> -> memref<64x128xf32, #tpu.memory_space<vmem>>
    %dma_start3A_188 = arith.constant 384 : i32
    %dma_start3A_189 = tpu.memref_slice %arg7[%dma_start3A_188] : memref<512xi32, #tpu.memory_space<vmem>> -> memref<64xi32, #tpu.memory_space<vmem>>
    %dma_start3A_190 = arith.constant 0 : i32
    %dma_start3A_191 = arith.constant 0 : i32
    %dma_start3A_192 = tpu.memref_slice %arg9[%dma_start3A_190, %dma_start3A_191] : memref<1024x128xf32, #tpu.memory_space<vmem_shared>> -> memref<1024x128xf32, #tpu.memory_space<vmem_shared>>
    tpu.enqueue_indirect_dma source(%dma_start3A_192 : memref<1024x128xf32, #tpu.memory_space<vmem_shared>>) target(%dma_start3A_187 : memref<64x128xf32, #tpu.memory_space<vmem>>) offsets(%dma_start3A_189 : memref<64xi32, #tpu.memory_space<vmem>>) semaphore(%arg16 : memref<!tpu.dma_semaphore, #tpu.memory_space<semaphore_mem>>)
    %dma_start3A_193 = arith.constant 448 : i32
    %dma_start3A_194 = arith.constant 0 : i32
    %dma_start3A_195 = tpu.memref_slice %arg8[%dma_start3A_193, %dma_start3A_194] : memref<512x128xf32, #tpu.memory_space<vmem>> -> memref<64x128xf32, #tpu.memory_space<vmem>>
    %dma_start3A_196 = arith.constant 448 : i32
    %dma_start3A_197 = tpu.memref_slice %arg7[%dma_start3A_196] : memref<512xi32, #tpu.memory_space<vmem>> -> memref<64xi32, #tpu.memory_space<vmem>>
    %dma_start3A_198 = arith.constant 0 : i32
    %dma_start3A_199 = arith.constant 0 : i32
    %dma_start3A_200 = tpu.memref_slice %arg9[%dma_start3A_198, %dma_start3A_199] : memref<1024x128xf32, #tpu.memory_space<vmem_shared>> -> memref<1024x128xf32, #tpu.memory_space<vmem_shared>>
    tpu.enqueue_indirect_dma source(%dma_start3A_200 : memref<1024x128xf32, #tpu.memory_space<vmem_shared>>) target(%dma_start3A_195 : memref<64x128xf32, #tpu.memory_space<vmem>>) offsets(%dma_start3A_197 : memref<64xi32, #tpu.memory_space<vmem>>) semaphore(%arg17 : memref<!tpu.dma_semaphore, #tpu.memory_space<semaphore_mem>>)
    %dma_wait3A_201 = arith.constant 0 : i32
    %dma_wait3A_202 = arith.constant 0 : i32
    %dma_wait3A_203 = tpu.memref_slice %arg8[%dma_wait3A_201, %dma_wait3A_202] : memref<512x128xf32, #tpu.memory_space<vmem>> -> memref<64x128xf32, #tpu.memory_space<vmem>>
    %dma_wait3A_204 = arith.constant 0 : i32
    %dma_wait3A_205 = tpu.memref_slice %arg7[%dma_wait3A_204] : memref<512xi32, #tpu.memory_space<vmem>> -> memref<64xi32, #tpu.memory_space<vmem>>
    %dma_wait3A_206 = arith.constant 0 : i32
    %dma_wait3A_207 = arith.constant 0 : i32
    %dma_wait3A_208 = tpu.memref_slice %arg9[%dma_wait3A_206, %dma_wait3A_207] : memref<1024x128xf32, #tpu.memory_space<vmem_shared>> -> memref<1024x128xf32, #tpu.memory_space<vmem_shared>>
    tpu.wait_indirect_dma semaphore(%arg10 : memref<!tpu.dma_semaphore, #tpu.memory_space<semaphore_mem>>) src(%dma_wait3A_208 : memref<1024x128xf32, #tpu.memory_space<vmem_shared>>) dst(%dma_wait3A_203 : memref<64x128xf32, #tpu.memory_space<vmem>>)
    %add3A_209 = arith.constant 0 : i32
    %add3A_210 = arith.addi %mul3A_2, %add3A_209 : i32
    %dma_start3A_211 = arith.constant 0 : i32
    %dma_start3A_212 = arith.constant 0 : i32
    %dma_start3A_213 = tpu.memref_slice %arg8[%dma_start3A_211, %dma_start3A_212] : memref<512x128xf32, #tpu.memory_space<vmem>> -> memref<64x128xf32, #tpu.memory_space<vmem>>
    %dma_start3A_214 = arith.constant 0 : i32
    %dma_start3A_215 = tpu.memref_slice %arg4[%add3A_210, %dma_start3A_214] : memref<16384x128xf32, #tpu.memory_space<hbm>> -> memref<64x128xf32, #tpu.memory_space<hbm>>
    %dma_start3A_216 = arith.constant 0 : i32
    %dma_start3A_217 = tpu.memref_slice %arg4[%add3A_210, %dma_start3A_216] : memref<16384x128xf32, #tpu.memory_space<hbm>> -> memref<64x128xf32, #tpu.memory_space<hbm>>
    %dma_start3A_218 = arith.constant 0 : i32
    %dma_start3A_219 = arith.constant 0 : i32
    %dma_start3A_220 = tpu.memref_slice %arg8[%dma_start3A_218, %dma_start3A_219] : memref<512x128xf32, #tpu.memory_space<vmem>> -> memref<64x128xf32, #tpu.memory_space<vmem>>
    tpu.enqueue_dma source(%dma_start3A_220 : memref<64x128xf32, #tpu.memory_space<vmem>>) target(%dma_start3A_217 : memref<64x128xf32, #tpu.memory_space<hbm>>) target_semaphore(%arg18 : memref<!tpu.dma_semaphore, #tpu.memory_space<semaphore_mem>>)
    %dma_wait3A_221 = arith.constant 64 : i32
    %dma_wait3A_222 = arith.constant 0 : i32
    %dma_wait3A_223 = tpu.memref_slice %arg8[%dma_wait3A_221, %dma_wait3A_222] : memref<512x128xf32, #tpu.memory_space<vmem>> -> memref<64x128xf32, #tpu.memory_space<vmem>>
    %dma_wait3A_224 = arith.constant 64 : i32
    %dma_wait3A_225 = tpu.memref_slice %arg7[%dma_wait3A_224] : memref<512xi32, #tpu.memory_space<vmem>> -> memref<64xi32, #tpu.memory_space<vmem>>
    %dma_wait3A_226 = arith.constant 0 : i32
    %dma_wait3A_227 = arith.constant 0 : i32
    %dma_wait3A_228 = tpu.memref_slice %arg9[%dma_wait3A_226, %dma_wait3A_227] : memref<1024x128xf32, #tpu.memory_space<vmem_shared>> -> memref<1024x128xf32, #tpu.memory_space<vmem_shared>>
    tpu.wait_indirect_dma semaphore(%arg11 : memref<!tpu.dma_semaphore, #tpu.memory_space<semaphore_mem>>) src(%dma_wait3A_228 : memref<1024x128xf32, #tpu.memory_space<vmem_shared>>) dst(%dma_wait3A_223 : memref<64x128xf32, #tpu.memory_space<vmem>>)
    %add3A_229 = arith.constant 64 : i32
    %add3A_230 = arith.addi %mul3A_2, %add3A_229 : i32
    %dma_start3A_231 = arith.constant 64 : i32
    %dma_start3A_232 = arith.constant 0 : i32
    %dma_start3A_233 = tpu.memref_slice %arg8[%dma_start3A_231, %dma_start3A_232] : memref<512x128xf32, #tpu.memory_space<vmem>> -> memref<64x128xf32, #tpu.memory_space<vmem>>
    %dma_start3A_234 = arith.constant 0 : i32
    %dma_start3A_235 = tpu.memref_slice %arg4[%add3A_230, %dma_start3A_234] : memref<16384x128xf32, #tpu.memory_space<hbm>> -> memref<64x128xf32, #tpu.memory_space<hbm>>
    %dma_start3A_236 = arith.constant 0 : i32
    %dma_start3A_237 = tpu.memref_slice %arg4[%add3A_230, %dma_start3A_236] : memref<16384x128xf32, #tpu.memory_space<hbm>> -> memref<64x128xf32, #tpu.memory_space<hbm>>
    %dma_start3A_238 = arith.constant 64 : i32
    %dma_start3A_239 = arith.constant 0 : i32
    %dma_start3A_240 = tpu.memref_slice %arg8[%dma_start3A_238, %dma_start3A_239] : memref<512x128xf32, #tpu.memory_space<vmem>> -> memref<64x128xf32, #tpu.memory_space<vmem>>
    tpu.enqueue_dma source(%dma_start3A_240 : memref<64x128xf32, #tpu.memory_space<vmem>>) target(%dma_start3A_237 : memref<64x128xf32, #tpu.memory_space<hbm>>) target_semaphore(%arg18 : memref<!tpu.dma_semaphore, #tpu.memory_space<semaphore_mem>>)
    %dma_wait3A_241 = arith.constant 128 : i32
    %dma_wait3A_242 = arith.constant 0 : i32
    %dma_wait3A_243 = tpu.memref_slice %arg8[%dma_wait3A_241, %dma_wait3A_242] : memref<512x128xf32, #tpu.memory_space<vmem>> -> memref<64x128xf32, #tpu.memory_space<vmem>>
    %dma_wait3A_244 = arith.constant 128 : i32
    %dma_wait3A_245 = tpu.memref_slice %arg7[%dma_wait3A_244] : memref<512xi32, #tpu.memory_space<vmem>> -> memref<64xi32, #tpu.memory_space<vmem>>
    %dma_wait3A_246 = arith.constant 0 : i32
    %dma_wait3A_247 = arith.constant 0 : i32
    %dma_wait3A_248 = tpu.memref_slice %arg9[%dma_wait3A_246, %dma_wait3A_247] : memref<1024x128xf32, #tpu.memory_space<vmem_shared>> -> memref<1024x128xf32, #tpu.memory_space<vmem_shared>>
    tpu.wait_indirect_dma semaphore(%arg12 : memref<!tpu.dma_semaphore, #tpu.memory_space<semaphore_mem>>) src(%dma_wait3A_248 : memref<1024x128xf32, #tpu.memory_space<vmem_shared>>) dst(%dma_wait3A_243 : memref<64x128xf32, #tpu.memory_space<vmem>>)
    %add3A_249 = arith.constant 128 : i32
    %add3A_250 = arith.addi %mul3A_2, %add3A_249 : i32
    %dma_start3A_251 = arith.constant 128 : i32
    %dma_start3A_252 = arith.constant 0 : i32
    %dma_start3A_253 = tpu.memref_slice %arg8[%dma_start3A_251, %dma_start3A_252] : memref<512x128xf32, #tpu.memory_space<vmem>> -> memref<64x128xf32, #tpu.memory_space<vmem>>
    %dma_start3A_254 = arith.constant 0 : i32
    %dma_start3A_255 = tpu.memref_slice %arg4[%add3A_250, %dma_start3A_254] : memref<16384x128xf32, #tpu.memory_space<hbm>> -> memref<64x128xf32, #tpu.memory_space<hbm>>
    %dma_start3A_256 = arith.constant 0 : i32
    %dma_start3A_257 = tpu.memref_slice %arg4[%add3A_250, %dma_start3A_256] : memref<16384x128xf32, #tpu.memory_space<hbm>> -> memref<64x128xf32, #tpu.memory_space<hbm>>
    %dma_start3A_258 = arith.constant 128 : i32
    %dma_start3A_259 = arith.constant 0 : i32
    %dma_start3A_260 = tpu.memref_slice %arg8[%dma_start3A_258, %dma_start3A_259] : memref<512x128xf32, #tpu.memory_space<vmem>> -> memref<64x128xf32, #tpu.memory_space<vmem>>
    tpu.enqueue_dma source(%dma_start3A_260 : memref<64x128xf32, #tpu.memory_space<vmem>>) target(%dma_start3A_257 : memref<64x128xf32, #tpu.memory_space<hbm>>) target_semaphore(%arg18 : memref<!tpu.dma_semaphore, #tpu.memory_space<semaphore_mem>>)
    %dma_wait3A_261 = arith.constant 192 : i32
    %dma_wait3A_262 = arith.constant 0 : i32
    %dma_wait3A_263 = tpu.memref_slice %arg8[%dma_wait3A_261, %dma_wait3A_262] : memref<512x128xf32, #tpu.memory_space<vmem>> -> memref<64x128xf32, #tpu.memory_space<vmem>>
    %dma_wait3A_264 = arith.constant 192 : i32
    %dma_wait3A_265 = tpu.memref_slice %arg7[%dma_wait3A_264] : memref<512xi32, #tpu.memory_space<vmem>> -> memref<64xi32, #tpu.memory_space<vmem>>
    %dma_wait3A_266 = arith.constant 0 : i32
    %dma_wait3A_267 = arith.constant 0 : i32
    %dma_wait3A_268 = tpu.memref_slice %arg9[%dma_wait3A_266, %dma_wait3A_267] : memref<1024x128xf32, #tpu.memory_space<vmem_shared>> -> memref<1024x128xf32, #tpu.memory_space<vmem_shared>>
    tpu.wait_indirect_dma semaphore(%arg13 : memref<!tpu.dma_semaphore, #tpu.memory_space<semaphore_mem>>) src(%dma_wait3A_268 : memref<1024x128xf32, #tpu.memory_space<vmem_shared>>) dst(%dma_wait3A_263 : memref<64x128xf32, #tpu.memory_space<vmem>>)
    %add3A_269 = arith.constant 192 : i32
    %add3A_270 = arith.addi %mul3A_2, %add3A_269 : i32
    %dma_start3A_271 = arith.constant 192 : i32
    %dma_start3A_272 = arith.constant 0 : i32
    %dma_start3A_273 = tpu.memref_slice %arg8[%dma_start3A_271, %dma_start3A_272] : memref<512x128xf32, #tpu.memory_space<vmem>> -> memref<64x128xf32, #tpu.memory_space<vmem>>
    %dma_start3A_274 = arith.constant 0 : i32
    %dma_start3A_275 = tpu.memref_slice %arg4[%add3A_270, %dma_start3A_274] : memref<16384x128xf32, #tpu.memory_space<hbm>> -> memref<64x128xf32, #tpu.memory_space<hbm>>
    %dma_start3A_276 = arith.constant 0 : i32
    %dma_start3A_277 = tpu.memref_slice %arg4[%add3A_270, %dma_start3A_276] : memref<16384x128xf32, #tpu.memory_space<hbm>> -> memref<64x128xf32, #tpu.memory_space<hbm>>
    %dma_start3A_278 = arith.constant 192 : i32
    %dma_start3A_279 = arith.constant 0 : i32
    %dma_start3A_280 = tpu.memref_slice %arg8[%dma_start3A_278, %dma_start3A_279] : memref<512x128xf32, #tpu.memory_space<vmem>> -> memref<64x128xf32, #tpu.memory_space<vmem>>
    tpu.enqueue_dma source(%dma_start3A_280 : memref<64x128xf32, #tpu.memory_space<vmem>>) target(%dma_start3A_277 : memref<64x128xf32, #tpu.memory_space<hbm>>) target_semaphore(%arg18 : memref<!tpu.dma_semaphore, #tpu.memory_space<semaphore_mem>>)
    %dma_wait3A_281 = arith.constant 256 : i32
    %dma_wait3A_282 = arith.constant 0 : i32
    %dma_wait3A_283 = tpu.memref_slice %arg8[%dma_wait3A_281, %dma_wait3A_282] : memref<512x128xf32, #tpu.memory_space<vmem>> -> memref<64x128xf32, #tpu.memory_space<vmem>>
    %dma_wait3A_284 = arith.constant 256 : i32
    %dma_wait3A_285 = tpu.memref_slice %arg7[%dma_wait3A_284] : memref<512xi32, #tpu.memory_space<vmem>> -> memref<64xi32, #tpu.memory_space<vmem>>
    %dma_wait3A_286 = arith.constant 0 : i32
    %dma_wait3A_287 = arith.constant 0 : i32
    %dma_wait3A_288 = tpu.memref_slice %arg9[%dma_wait3A_286, %dma_wait3A_287] : memref<1024x128xf32, #tpu.memory_space<vmem_shared>> -> memref<1024x128xf32, #tpu.memory_space<vmem_shared>>
    tpu.wait_indirect_dma semaphore(%arg14 : memref<!tpu.dma_semaphore, #tpu.memory_space<semaphore_mem>>) src(%dma_wait3A_288 : memref<1024x128xf32, #tpu.memory_space<vmem_shared>>) dst(%dma_wait3A_283 : memref<64x128xf32, #tpu.memory_space<vmem>>)
    %add3A_289 = arith.constant 256 : i32
    %add3A_290 = arith.addi %mul3A_2, %add3A_289 : i32
    %dma_start3A_291 = arith.constant 256 : i32
    %dma_start3A_292 = arith.constant 0 : i32
    %dma_start3A_293 = tpu.memref_slice %arg8[%dma_start3A_291, %dma_start3A_292] : memref<512x128xf32, #tpu.memory_space<vmem>> -> memref<64x128xf32, #tpu.memory_space<vmem>>
    %dma_start3A_294 = arith.constant 0 : i32
    %dma_start3A_295 = tpu.memref_slice %arg4[%add3A_290, %dma_start3A_294] : memref<16384x128xf32, #tpu.memory_space<hbm>> -> memref<64x128xf32, #tpu.memory_space<hbm>>
    %dma_start3A_296 = arith.constant 0 : i32
    %dma_start3A_297 = tpu.memref_slice %arg4[%add3A_290, %dma_start3A_296] : memref<16384x128xf32, #tpu.memory_space<hbm>> -> memref<64x128xf32, #tpu.memory_space<hbm>>
    %dma_start3A_298 = arith.constant 256 : i32
    %dma_start3A_299 = arith.constant 0 : i32
    %dma_start3A_300 = tpu.memref_slice %arg8[%dma_start3A_298, %dma_start3A_299] : memref<512x128xf32, #tpu.memory_space<vmem>> -> memref<64x128xf32, #tpu.memory_space<vmem>>
    tpu.enqueue_dma source(%dma_start3A_300 : memref<64x128xf32, #tpu.memory_space<vmem>>) target(%dma_start3A_297 : memref<64x128xf32, #tpu.memory_space<hbm>>) target_semaphore(%arg18 : memref<!tpu.dma_semaphore, #tpu.memory_space<semaphore_mem>>)
    %dma_wait3A_301 = arith.constant 320 : i32
    %dma_wait3A_302 = arith.constant 0 : i32
    %dma_wait3A_303 = tpu.memref_slice %arg8[%dma_wait3A_301, %dma_wait3A_302] : memref<512x128xf32, #tpu.memory_space<vmem>> -> memref<64x128xf32, #tpu.memory_space<vmem>>
    %dma_wait3A_304 = arith.constant 320 : i32
    %dma_wait3A_305 = tpu.memref_slice %arg7[%dma_wait3A_304] : memref<512xi32, #tpu.memory_space<vmem>> -> memref<64xi32, #tpu.memory_space<vmem>>
    %dma_wait3A_306 = arith.constant 0 : i32
    %dma_wait3A_307 = arith.constant 0 : i32
    %dma_wait3A_308 = tpu.memref_slice %arg9[%dma_wait3A_306, %dma_wait3A_307] : memref<1024x128xf32, #tpu.memory_space<vmem_shared>> -> memref<1024x128xf32, #tpu.memory_space<vmem_shared>>
    tpu.wait_indirect_dma semaphore(%arg15 : memref<!tpu.dma_semaphore, #tpu.memory_space<semaphore_mem>>) src(%dma_wait3A_308 : memref<1024x128xf32, #tpu.memory_space<vmem_shared>>) dst(%dma_wait3A_303 : memref<64x128xf32, #tpu.memory_space<vmem>>)
    %add3A_309 = arith.constant 320 : i32
    %add3A_310 = arith.addi %mul3A_2, %add3A_309 : i32
    %dma_start3A_311 = arith.constant 320 : i32
    %dma_start3A_312 = arith.constant 0 : i32
    %dma_start3A_313 = tpu.memref_slice %arg8[%dma_start3A_311, %dma_start3A_312] : memref<512x128xf32, #tpu.memory_space<vmem>> -> memref<64x128xf32, #tpu.memory_space<vmem>>
    %dma_start3A_314 = arith.constant 0 : i32
    %dma_start3A_315 = tpu.memref_slice %arg4[%add3A_310, %dma_start3A_314] : memref<16384x128xf32, #tpu.memory_space<hbm>> -> memref<64x128xf32, #tpu.memory_space<hbm>>
    %dma_start3A_316 = arith.constant 0 : i32
    %dma_start3A_317 = tpu.memref_slice %arg4[%add3A_310, %dma_start3A_316] : memref<16384x128xf32, #tpu.memory_space<hbm>> -> memref<64x128xf32, #tpu.memory_space<hbm>>
    %dma_start3A_318 = arith.constant 320 : i32
    %dma_start3A_319 = arith.constant 0 : i32
    %dma_start3A_320 = tpu.memref_slice %arg8[%dma_start3A_318, %dma_start3A_319] : memref<512x128xf32, #tpu.memory_space<vmem>> -> memref<64x128xf32, #tpu.memory_space<vmem>>
    tpu.enqueue_dma source(%dma_start3A_320 : memref<64x128xf32, #tpu.memory_space<vmem>>) target(%dma_start3A_317 : memref<64x128xf32, #tpu.memory_space<hbm>>) target_semaphore(%arg18 : memref<!tpu.dma_semaphore, #tpu.memory_space<semaphore_mem>>)
    %dma_wait3A_321 = arith.constant 384 : i32
    %dma_wait3A_322 = arith.constant 0 : i32
    %dma_wait3A_323 = tpu.memref_slice %arg8[%dma_wait3A_321, %dma_wait3A_322] : memref<512x128xf32, #tpu.memory_space<vmem>> -> memref<64x128xf32, #tpu.memory_space<vmem>>
    %dma_wait3A_324 = arith.constant 384 : i32
    %dma_wait3A_325 = tpu.memref_slice %arg7[%dma_wait3A_324] : memref<512xi32, #tpu.memory_space<vmem>> -> memref<64xi32, #tpu.memory_space<vmem>>
    %dma_wait3A_326 = arith.constant 0 : i32
    %dma_wait3A_327 = arith.constant 0 : i32
    %dma_wait3A_328 = tpu.memref_slice %arg9[%dma_wait3A_326, %dma_wait3A_327] : memref<1024x128xf32, #tpu.memory_space<vmem_shared>> -> memref<1024x128xf32, #tpu.memory_space<vmem_shared>>
    tpu.wait_indirect_dma semaphore(%arg16 : memref<!tpu.dma_semaphore, #tpu.memory_space<semaphore_mem>>) src(%dma_wait3A_328 : memref<1024x128xf32, #tpu.memory_space<vmem_shared>>) dst(%dma_wait3A_323 : memref<64x128xf32, #tpu.memory_space<vmem>>)
    %add3A_329 = arith.constant 384 : i32
    %add3A_330 = arith.addi %mul3A_2, %add3A_329 : i32
    %dma_start3A_331 = arith.constant 384 : i32
    %dma_start3A_332 = arith.constant 0 : i32
    %dma_start3A_333 = tpu.memref_slice %arg8[%dma_start3A_331, %dma_start3A_332] : memref<512x128xf32, #tpu.memory_space<vmem>> -> memref<64x128xf32, #tpu.memory_space<vmem>>
    %dma_start3A_334 = arith.constant 0 : i32
    %dma_start3A_335 = tpu.memref_slice %arg4[%add3A_330, %dma_start3A_334] : memref<16384x128xf32, #tpu.memory_space<hbm>> -> memref<64x128xf32, #tpu.memory_space<hbm>>
    %dma_start3A_336 = arith.constant 0 : i32
    %dma_start3A_337 = tpu.memref_slice %arg4[%add3A_330, %dma_start3A_336] : memref<16384x128xf32, #tpu.memory_space<hbm>> -> memref<64x128xf32, #tpu.memory_space<hbm>>
    %dma_start3A_338 = arith.constant 384 : i32
    %dma_start3A_339 = arith.constant 0 : i32
    %dma_start3A_340 = tpu.memref_slice %arg8[%dma_start3A_338, %dma_start3A_339] : memref<512x128xf32, #tpu.memory_space<vmem>> -> memref<64x128xf32, #tpu.memory_space<vmem>>
    tpu.enqueue_dma source(%dma_start3A_340 : memref<64x128xf32, #tpu.memory_space<vmem>>) target(%dma_start3A_337 : memref<64x128xf32, #tpu.memory_space<hbm>>) target_semaphore(%arg18 : memref<!tpu.dma_semaphore, #tpu.memory_space<semaphore_mem>>)
    %dma_wait3A_341 = arith.constant 448 : i32
    %dma_wait3A_342 = arith.constant 0 : i32
    %dma_wait3A_343 = tpu.memref_slice %arg8[%dma_wait3A_341, %dma_wait3A_342] : memref<512x128xf32, #tpu.memory_space<vmem>> -> memref<64x128xf32, #tpu.memory_space<vmem>>
    %dma_wait3A_344 = arith.constant 448 : i32
    %dma_wait3A_345 = tpu.memref_slice %arg7[%dma_wait3A_344] : memref<512xi32, #tpu.memory_space<vmem>> -> memref<64xi32, #tpu.memory_space<vmem>>
    %dma_wait3A_346 = arith.constant 0 : i32
    %dma_wait3A_347 = arith.constant 0 : i32
    %dma_wait3A_348 = tpu.memref_slice %arg9[%dma_wait3A_346, %dma_wait3A_347] : memref<1024x128xf32, #tpu.memory_space<vmem_shared>> -> memref<1024x128xf32, #tpu.memory_space<vmem_shared>>
    tpu.wait_indirect_dma semaphore(%arg17 : memref<!tpu.dma_semaphore, #tpu.memory_space<semaphore_mem>>) src(%dma_wait3A_348 : memref<1024x128xf32, #tpu.memory_space<vmem_shared>>) dst(%dma_wait3A_343 : memref<64x128xf32, #tpu.memory_space<vmem>>)
    %add3A_349 = arith.constant 448 : i32
    %add3A_350 = arith.addi %mul3A_2, %add3A_349 : i32
    %dma_start3A_351 = arith.constant 448 : i32
    %dma_start3A_352 = arith.constant 0 : i32
    %dma_start3A_353 = tpu.memref_slice %arg8[%dma_start3A_351, %dma_start3A_352] : memref<512x128xf32, #tpu.memory_space<vmem>> -> memref<64x128xf32, #tpu.memory_space<vmem>>
    %dma_start3A_354 = arith.constant 0 : i32
    %dma_start3A_355 = tpu.memref_slice %arg4[%add3A_350, %dma_start3A_354] : memref<16384x128xf32, #tpu.memory_space<hbm>> -> memref<64x128xf32, #tpu.memory_space<hbm>>
    %dma_start3A_356 = arith.constant 0 : i32
    %dma_start3A_357 = tpu.memref_slice %arg4[%add3A_350, %dma_start3A_356] : memref<16384x128xf32, #tpu.memory_space<hbm>> -> memref<64x128xf32, #tpu.memory_space<hbm>>
    %dma_start3A_358 = arith.constant 448 : i32
    %dma_start3A_359 = arith.constant 0 : i32
    %dma_start3A_360 = tpu.memref_slice %arg8[%dma_start3A_358, %dma_start3A_359] : memref<512x128xf32, #tpu.memory_space<vmem>> -> memref<64x128xf32, #tpu.memory_space<vmem>>
    tpu.enqueue_dma source(%dma_start3A_360 : memref<64x128xf32, #tpu.memory_space<vmem>>) target(%dma_start3A_357 : memref<64x128xf32, #tpu.memory_space<hbm>>) target_semaphore(%arg18 : memref<!tpu.dma_semaphore, #tpu.memory_space<semaphore_mem>>)
    %dma_wait3A_361 = arith.constant 0 : i32
    %dma_wait3A_362 = arith.constant 0 : i32
    %dma_wait3A_363 = tpu.memref_slice %arg8[%dma_wait3A_361, %dma_wait3A_362] : memref<512x128xf32, #tpu.memory_space<vmem>> -> memref<64x128xf32, #tpu.memory_space<vmem>>
    %dma_wait3A_364 = arith.constant 0 : i32
    %dma_wait3A_365 = tpu.memref_slice %arg4[%add3A_210, %dma_wait3A_364] : memref<16384x128xf32, #tpu.memory_space<hbm>> -> memref<64x128xf32, #tpu.memory_space<hbm>>
    %dma_wait3A_366 = arith.constant 0 : i32
    %dma_wait3A_367 = tpu.memref_slice %arg4[%add3A_210, %dma_wait3A_366] : memref<16384x128xf32, #tpu.memory_space<hbm>> -> memref<64x128xf32, #tpu.memory_space<hbm>>
    %dma_wait3A_368 = arith.constant 0 : i32
    %dma_wait3A_369 = arith.constant 0 : i32
    %dma_wait3A_370 = tpu.memref_slice %arg8[%dma_wait3A_368, %dma_wait3A_369] : memref<512x128xf32, #tpu.memory_space<vmem>> -> memref<64x128xf32, #tpu.memory_space<vmem>>
    tpu.wait_dma2 semaphore(%arg18 : memref<!tpu.dma_semaphore, #tpu.memory_space<semaphore_mem>>) src(%dma_wait3A_370 : memref<64x128xf32, #tpu.memory_space<vmem>>) dst(%dma_wait3A_367 : memref<64x128xf32, #tpu.memory_space<hbm>>)
    %dma_wait3A_371 = arith.constant 64 : i32
    %dma_wait3A_372 = arith.constant 0 : i32
    %dma_wait3A_373 = tpu.memref_slice %arg8[%dma_wait3A_371, %dma_wait3A_372] : memref<512x128xf32, #tpu.memory_space<vmem>> -> memref<64x128xf32, #tpu.memory_space<vmem>>
    %dma_wait3A_374 = arith.constant 0 : i32
    %dma_wait3A_375 = tpu.memref_slice %arg4[%add3A_230, %dma_wait3A_374] : memref<16384x128xf32, #tpu.memory_space<hbm>> -> memref<64x128xf32, #tpu.memory_space<hbm>>
    %dma_wait3A_376 = arith.constant 0 : i32
    %dma_wait3A_377 = tpu.memref_slice %arg4[%add3A_230, %dma_wait3A_376] : memref<16384x128xf32, #tpu.memory_space<hbm>> -> memref<64x128xf32, #tpu.memory_space<hbm>>
    %dma_wait3A_378 = arith.constant 64 : i32
    %dma_wait3A_379 = arith.constant 0 : i32
    %dma_wait3A_380 = tpu.memref_slice %arg8[%dma_wait3A_378, %dma_wait3A_379] : memref<512x128xf32, #tpu.memory_space<vmem>> -> memref<64x128xf32, #tpu.memory_space<vmem>>
    tpu.wait_dma2 semaphore(%arg18 : memref<!tpu.dma_semaphore, #tpu.memory_space<semaphore_mem>>) src(%dma_wait3A_380 : memref<64x128xf32, #tpu.memory_space<vmem>>) dst(%dma_wait3A_377 : memref<64x128xf32, #tpu.memory_space<hbm>>)
    %dma_wait3A_381 = arith.constant 128 : i32
    %dma_wait3A_382 = arith.constant 0 : i32
    %dma_wait3A_383 = tpu.memref_slice %arg8[%dma_wait3A_381, %dma_wait3A_382] : memref<512x128xf32, #tpu.memory_space<vmem>> -> memref<64x128xf32, #tpu.memory_space<vmem>>
    %dma_wait3A_384 = arith.constant 0 : i32
    %dma_wait3A_385 = tpu.memref_slice %arg4[%add3A_250, %dma_wait3A_384] : memref<16384x128xf32, #tpu.memory_space<hbm>> -> memref<64x128xf32, #tpu.memory_space<hbm>>
    %dma_wait3A_386 = arith.constant 0 : i32
    %dma_wait3A_387 = tpu.memref_slice %arg4[%add3A_250, %dma_wait3A_386] : memref<16384x128xf32, #tpu.memory_space<hbm>> -> memref<64x128xf32, #tpu.memory_space<hbm>>
    %dma_wait3A_388 = arith.constant 128 : i32
    %dma_wait3A_389 = arith.constant 0 : i32
    %dma_wait3A_390 = tpu.memref_slice %arg8[%dma_wait3A_388, %dma_wait3A_389] : memref<512x128xf32, #tpu.memory_space<vmem>> -> memref<64x128xf32, #tpu.memory_space<vmem>>
    tpu.wait_dma2 semaphore(%arg18 : memref<!tpu.dma_semaphore, #tpu.memory_space<semaphore_mem>>) src(%dma_wait3A_390 : memref<64x128xf32, #tpu.memory_space<vmem>>) dst(%dma_wait3A_387 : memref<64x128xf32, #tpu.memory_space<hbm>>)
    %dma_wait3A_391 = arith.constant 192 : i32
    %dma_wait3A_392 = arith.constant 0 : i32
    %dma_wait3A_393 = tpu.memref_slice %arg8[%dma_wait3A_391, %dma_wait3A_392] : memref<512x128xf32, #tpu.memory_space<vmem>> -> memref<64x128xf32, #tpu.memory_space<vmem>>
    %dma_wait3A_394 = arith.constant 0 : i32
    %dma_wait3A_395 = tpu.memref_slice %arg4[%add3A_270, %dma_wait3A_394] : memref<16384x128xf32, #tpu.memory_space<hbm>> -> memref<64x128xf32, #tpu.memory_space<hbm>>
    %dma_wait3A_396 = arith.constant 0 : i32
    %dma_wait3A_397 = tpu.memref_slice %arg4[%add3A_270, %dma_wait3A_396] : memref<16384x128xf32, #tpu.memory_space<hbm>> -> memref<64x128xf32, #tpu.memory_space<hbm>>
    %dma_wait3A_398 = arith.constant 192 : i32
    %dma_wait3A_399 = arith.constant 0 : i32
    %dma_wait3A_400 = tpu.memref_slice %arg8[%dma_wait3A_398, %dma_wait3A_399] : memref<512x128xf32, #tpu.memory_space<vmem>> -> memref<64x128xf32, #tpu.memory_space<vmem>>
    tpu.wait_dma2 semaphore(%arg18 : memref<!tpu.dma_semaphore, #tpu.memory_space<semaphore_mem>>) src(%dma_wait3A_400 : memref<64x128xf32, #tpu.memory_space<vmem>>) dst(%dma_wait3A_397 : memref<64x128xf32, #tpu.memory_space<hbm>>)
    %dma_wait3A_401 = arith.constant 256 : i32
    %dma_wait3A_402 = arith.constant 0 : i32
    %dma_wait3A_403 = tpu.memref_slice %arg8[%dma_wait3A_401, %dma_wait3A_402] : memref<512x128xf32, #tpu.memory_space<vmem>> -> memref<64x128xf32, #tpu.memory_space<vmem>>
    %dma_wait3A_404 = arith.constant 0 : i32
    %dma_wait3A_405 = tpu.memref_slice %arg4[%add3A_290, %dma_wait3A_404] : memref<16384x128xf32, #tpu.memory_space<hbm>> -> memref<64x128xf32, #tpu.memory_space<hbm>>
    %dma_wait3A_406 = arith.constant 0 : i32
    %dma_wait3A_407 = tpu.memref_slice %arg4[%add3A_290, %dma_wait3A_406] : memref<16384x128xf32, #tpu.memory_space<hbm>> -> memref<64x128xf32, #tpu.memory_space<hbm>>
    %dma_wait3A_408 = arith.constant 256 : i32
    %dma_wait3A_409 = arith.constant 0 : i32
    %dma_wait3A_410 = tpu.memref_slice %arg8[%dma_wait3A_408, %dma_wait3A_409] : memref<512x128xf32, #tpu.memory_space<vmem>> -> memref<64x128xf32, #tpu.memory_space<vmem>>
    tpu.wait_dma2 semaphore(%arg18 : memref<!tpu.dma_semaphore, #tpu.memory_space<semaphore_mem>>) src(%dma_wait3A_410 : memref<64x128xf32, #tpu.memory_space<vmem>>) dst(%dma_wait3A_407 : memref<64x128xf32, #tpu.memory_space<hbm>>)
    %dma_wait3A_411 = arith.constant 320 : i32
    %dma_wait3A_412 = arith.constant 0 : i32
    %dma_wait3A_413 = tpu.memref_slice %arg8[%dma_wait3A_411, %dma_wait3A_412] : memref<512x128xf32, #tpu.memory_space<vmem>> -> memref<64x128xf32, #tpu.memory_space<vmem>>
    %dma_wait3A_414 = arith.constant 0 : i32
    %dma_wait3A_415 = tpu.memref_slice %arg4[%add3A_310, %dma_wait3A_414] : memref<16384x128xf32, #tpu.memory_space<hbm>> -> memref<64x128xf32, #tpu.memory_space<hbm>>
    %dma_wait3A_416 = arith.constant 0 : i32
    %dma_wait3A_417 = tpu.memref_slice %arg4[%add3A_310, %dma_wait3A_416] : memref<16384x128xf32, #tpu.memory_space<hbm>> -> memref<64x128xf32, #tpu.memory_space<hbm>>
    %dma_wait3A_418 = arith.constant 320 : i32
    %dma_wait3A_419 = arith.constant 0 : i32
    %dma_wait3A_420 = tpu.memref_slice %arg8[%dma_wait3A_418, %dma_wait3A_419] : memref<512x128xf32, #tpu.memory_space<vmem>> -> memref<64x128xf32, #tpu.memory_space<vmem>>
    tpu.wait_dma2 semaphore(%arg18 : memref<!tpu.dma_semaphore, #tpu.memory_space<semaphore_mem>>) src(%dma_wait3A_420 : memref<64x128xf32, #tpu.memory_space<vmem>>) dst(%dma_wait3A_417 : memref<64x128xf32, #tpu.memory_space<hbm>>)
    %dma_wait3A_421 = arith.constant 384 : i32
    %dma_wait3A_422 = arith.constant 0 : i32
    %dma_wait3A_423 = tpu.memref_slice %arg8[%dma_wait3A_421, %dma_wait3A_422] : memref<512x128xf32, #tpu.memory_space<vmem>> -> memref<64x128xf32, #tpu.memory_space<vmem>>
    %dma_wait3A_424 = arith.constant 0 : i32
    %dma_wait3A_425 = tpu.memref_slice %arg4[%add3A_330, %dma_wait3A_424] : memref<16384x128xf32, #tpu.memory_space<hbm>> -> memref<64x128xf32, #tpu.memory_space<hbm>>
    %dma_wait3A_426 = arith.constant 0 : i32
    %dma_wait3A_427 = tpu.memref_slice %arg4[%add3A_330, %dma_wait3A_426] : memref<16384x128xf32, #tpu.memory_space<hbm>> -> memref<64x128xf32, #tpu.memory_space<hbm>>
    %dma_wait3A_428 = arith.constant 384 : i32
    %dma_wait3A_429 = arith.constant 0 : i32
    %dma_wait3A_430 = tpu.memref_slice %arg8[%dma_wait3A_428, %dma_wait3A_429] : memref<512x128xf32, #tpu.memory_space<vmem>> -> memref<64x128xf32, #tpu.memory_space<vmem>>
    tpu.wait_dma2 semaphore(%arg18 : memref<!tpu.dma_semaphore, #tpu.memory_space<semaphore_mem>>) src(%dma_wait3A_430 : memref<64x128xf32, #tpu.memory_space<vmem>>) dst(%dma_wait3A_427 : memref<64x128xf32, #tpu.memory_space<hbm>>)
    %dma_wait3A_431 = arith.constant 448 : i32
    %dma_wait3A_432 = arith.constant 0 : i32
    %dma_wait3A_433 = tpu.memref_slice %arg8[%dma_wait3A_431, %dma_wait3A_432] : memref<512x128xf32, #tpu.memory_space<vmem>> -> memref<64x128xf32, #tpu.memory_space<vmem>>
    %dma_wait3A_434 = arith.constant 0 : i32
    %dma_wait3A_435 = tpu.memref_slice %arg4[%add3A_350, %dma_wait3A_434] : memref<16384x128xf32, #tpu.memory_space<hbm>> -> memref<64x128xf32, #tpu.memory_space<hbm>>
    %dma_wait3A_436 = arith.constant 0 : i32
    %dma_wait3A_437 = tpu.memref_slice %arg4[%add3A_350, %dma_wait3A_436] : memref<16384x128xf32, #tpu.memory_space<hbm>> -> memref<64x128xf32, #tpu.memory_space<hbm>>
    %dma_wait3A_438 = arith.constant 448 : i32
    %dma_wait3A_439 = arith.constant 0 : i32
    %dma_wait3A_440 = tpu.memref_slice %arg8[%dma_wait3A_438, %dma_wait3A_439] : memref<512x128xf32, #tpu.memory_space<vmem>> -> memref<64x128xf32, #tpu.memory_space<vmem>>
    tpu.wait_dma2 semaphore(%arg18 : memref<!tpu.dma_semaphore, #tpu.memory_space<semaphore_mem>>) src(%dma_wait3A_440 : memref<64x128xf32, #tpu.memory_space<vmem>>) dst(%dma_wait3A_437 : memref<64x128xf32, #tpu.memory_space<hbm>>)
    return
  }
}

</mosaic_0001>

<sc_bundles>
// kernel: kernel.3.cloned.1.call-start
scs
__scs_entry_jumppad:
0x0: {  	(pc) =	sbr.rel $0x88, $3  }
0x1: {  	(tag) =	ssettag $0x0;
	lr =	simm.s32 $0x1  }
0x2: {  	[smem:$0x3F9F] =	sst lr;
	_ =	strace $0xD0000000  }
0x3: {  	_ = 	snop  }
0x4: {  	_ = 	snop  }
0x5: {  	_ = 	snop  }
0x6: {  	_ = 	snop  }
0x7: {  	_ = 	snop  }
__scs_overlays_trampoline_lowered:
0x8: {  	[smem:$0x3FAE] =	sst s0  }
0x9: {  	[smem:$0x3FAF] =	sst s1  }
0xa: {  	[smem:$0x3FB0] =	sst s2  }
0xb: {  	[smem:$0x3FB1] =	sst s3  }
0xc: {  	[smem:$0x3FB2] =	sst s4  }
0xd: {  	[smem:$0x3FB3] =	sst s5  }
0xe: {  	[smem:$0x3FB4] =	sst s6  }
0xf: {  	[smem:$0x3FB5] =	sst s7  }
0x10: {  	[smem:$0x3FB6] =	sst s8  }
0x11: {  	[smem:$0x3FB7] =	sst s9;
	s0 =	simm.s32 @!p0 $0x0  }
0x12: {  	s1 =	sld [smem:$0x3F9D];
	s0 =	simm.s32 @p0 $0x1  }
0x13: {  	[smem:$0x3FB8] =	sst s0;
	s0 =	simm.s32 @!p1 $0x0  }
0x14: {  	s2 =	sld [smem:$0x3F9C];
	s0 =	simm.s32 @p1 $0x1  }
0x15: {  	[smem:$0x3FB9] =	sst s0;
	s0 =	simm.s32 @!p2 $0x0  }
0x16: {  	s3 =	sld [smem:$0x3FDB];
	s0 =	simm.s32 @p2 $0x1  }
0x17: {  	s4 =	simm.s32 $0x1BF5;
	[smem:$0x3FBB] =	sst s0  }
0x18: {  	s0 =	sld [smem:$0x3F9E];
	_ =	swait.ge [sflag:s4], $0x0  }
0x19: {  	s7 =	sld [smem:$0x3F9F]  }
0x1a: {  	s8 =	sadd.s32 $0xFFFFE003, lr  }
0x1b: {  	s9 =	sadd.s32 $0xFFFFFEF7, lr;
	s5 =	simm.s32 $0xFFFFFFFF;
	p2 =	slt.u32 s8, $0xFFFFF086  }
0x1c: {  	p1 =	slt.u32 s9, $0xF7A;
	s5 =	simm.s32 @!p2 $0x0  }
0x1d: {  	s5 =	simm.s32 @p1 $0x1;
	p0 =	seq.s32 s7, s2  }
0x1e: {  	s7 =	smul.u32 @!p0 $0xF7A, s2;
	p2 =	seq.s32 @!p0 s5, $0x0  }
0x1f: {  	s9 =	smul.u32 $0xF7A, s1;
	s8 =	simm.s32 @!p0 $0x1BF5;
	p2 =	por !p2, p0  }
0x20: {  	[sflag:s8] =	ssyncset.s32 @!p0 $0xFFFFF086;
	s6 =	sadd.s32 @!p0 s3, s7;
	s7 =	simm.s32 @!p0 $0x108  }
0x21: {  	s3 =	sadd.s32 s3, s9;
	s6 =	sadd.s32 @!p0 $0x88, s6;
	s7 =	simm.s32 @p2 $0x1082  }
0x22: {  	[simem:s7], [sflag:s8] =	dma.local @!p0 [hbm:s6], $0xF7A  }
0x23: {  	s9 =	sor.u32 $0xD0000000, s2;
	s6 =	simm.s32 $0x108;
	_ =	swait.ge @!p0 [sflag:s8], $0x0  }
0x24: {  	s3 =	sadd.s32 $0x88, s3;
	s6 =	simm.s32 @!p1 $0x1082;
	[sflag:s4] =	ssyncset.s32 $0xFFFFF086  }
0x25: {  	[simem:s6], [sflag:s4] =	dma.local [hbm:s3], $0xF7A  }
0x26: {  	[smem:$0x3F9F] =	sst s1;
	(tag) =	ssettag s2;
	_ =	strace s9  }
0x27: {  	s1 =	sld [smem:$0x3FAF]  }
0x28: {  	s2 =	sld [smem:$0x3FB0]  }
0x29: {  	s4 =	sld [smem:$0x3FB2]  }
0x2a: {  	p0 =	seq.s32 s5, $0x0;
	s5 =	sld [smem:$0x3FB3]  }
0x2b: {  	s6 =	sld [smem:$0x3FB4]  }
0x2c: {  	s7 =	sld [smem:$0x3FB5]  }
0x2d: {  	s3 =	simm.s32 $0x108;
	s8 =	sld [smem:$0x3FB6]  }
0x2e: {  	s3 =	simm.s32 @!p0 $0x1082;
	s9 =	sld [smem:$0x3FB7]  }
0x2f: {  	lr =	sadd.s32 s0, s3;
	s0 =	sld [smem:$0x3FAE]  }
0x30: {  	s3 =	sld [smem:$0x3FB1]  }
0x31: {  	[smem:$0x3FBA] =	sst s10  }
0x32: {  	s10 =	sld [smem:$0x3FB8];
	_ =	sdelay $0x3  }
0x33: {  	p0 =	seq.s32 s10, $0x1;
	s10 =	sld [smem:$0x3FBA];
	_ =	sdelay $0x3  }
0x34: {  	[smem:$0x3FBA] =	sst s10  }
0x35: {  	s10 =	sld [smem:$0x3FB9];
	_ =	sdelay $0x3  }
0x36: {  	p1 =	seq.s32 s10, $0x1;
	s10 =	sld [smem:$0x3FBA];
	_ =	sdelay $0x3  }
0x37: {  	[smem:$0x3FBA] =	sst s10  }
0x38: {  	s10 =	sld [smem:$0x3FBB]  }
0x39: {  	_ = 	snop;
	(pc) =	sbr.ind lr, $3  }
0x3a: {  	_ = 	snop  }
0x3b: {  	_ = 	snop  }
0x3c: {  	p2 =	seq.s32 s10, $0x1;
	s10 =	sld [smem:$0x3FBA]  }
0x3d: {  	_ =	shalt  }
0x3e: {  	_ =	shalt  }
0x3f: {  	_ =	shalt  }
0x40: {  	_ =	shalt  }
0x41: {  	_ =	shalt  }
0x42: {  	_ =	shalt  }
0x43: {  	_ =	shalt  }
0x44: {  	_ =	shalt  }
0x45: {  	_ =	shalt  }
0x46: {  	_ =	shalt  }
0x47: {  	_ =	shalt  }
0x48: {  	_ =	shalt  }
0x49: {  	_ =	shalt  }
0x4a: {  	_ =	shalt  }
0x4b: {  	_ =	shalt  }
0x4c: {  	_ =	shalt  }
0x4d: {  	_ =	shalt  }
0x4e: {  	_ =	shalt  }
0x4f: {  	_ =	shalt  }
0x50: {  	_ =	shalt  }
0x51: {  	_ =	shalt  }
0x52: {  	_ =	shalt  }
0x53: {  	_ =	shalt  }
0x54: {  	_ =	shalt  }
0x55: {  	_ =	shalt  }
0x56: {  	_ =	shalt  }
0x57: {  	_ =	shalt  }
0x58: {  	_ =	shalt  }
0x59: {  	_ =	shalt  }
0x5a: {  	_ =	shalt  }
0x5b: {  	_ =	shalt  }
0x5c: {  	_ =	shalt  }
0x5d: {  	_ =	shalt  }
0x5e: {  	_ =	shalt  }
0x5f: {  	_ =	shalt  }
0x60: {  	_ =	shalt  }
0x61: {  	_ =	shalt  }
0x62: {  	_ =	shalt  }
0x63: {  	_ =	shalt  }
0x64: {  	_ =	shalt  }
0x65: {  	_ =	shalt  }
0x66: {  	_ =	shalt  }
0x67: {  	_ =	shalt  }
0x68: {  	_ =	shalt  }
0x69: {  	_ =	shalt  }
0x6a: {  	_ =	shalt  }
0x6b: {  	_ =	shalt  }
0x6c: {  	_ =	shalt  }
0x6d: {  	_ =	shalt  }
0x6e: {  	_ =	shalt  }
0x6f: {  	_ =	shalt  }
0x70: {  	_ =	shalt  }
0x71: {  	_ =	shalt  }
0x72: {  	_ =	shalt  }
0x73: {  	_ =	shalt  }
0x74: {  	_ =	shalt  }
0x75: {  	_ =	shalt  }
0x76: {  	_ =	shalt  }
0x77: {  	_ =	shalt  }
0x78: {  	_ =	shalt  }
0x79: {  	_ =	shalt  }
0x7a: {  	_ =	shalt  }
0x7b: {  	_ =	shalt  }
0x7c: {  	_ =	shalt  }
0x7d: {  	_ =	shalt  }
0x7e: {  	_ =	shalt  }
0x7f: {  	_ =	shalt  }
0x80: {  	_ =	shalt  }
0x81: {  	_ =	shalt  }
0x82: {  	_ =	shalt  }
0x83: {  	_ =	shalt  }
0x84: {  	_ =	shalt  }
0x85: {  	_ =	shalt  }
0x86: {  	_ =	shalt  }
0x87: {  	_ =	shalt  }
.Lfunc_end0:
.L_simem_size_0:
called_computation_lowered:
.L_overlay_start_0:
0x88: {  	s2 =	sld [smem:$0x3FD9]  }
0x89: {  	s3 =	sld [smem:$0x3FFE];
	_ =	sdelay $0x1  }
0x8a: {  	s1 =	srdreg.scid  }
0x8b: {  	s0 =	sand.u32 $0x1, s1  }
0x8c: {  	s18 =	sshll.u32 s0, $0xA;
	s2 =	sadd.s32 s3, s2  }
0x8d: {  	s2 =	sadd.s32 s2, s18  }
0x8e: {  	[smem:$0x3FC6] =	sst s2  }
0x8f: {  	_ = 	snop  }
0x90: {  	s2 =	sld [smem:$0x3FC9]  }
0x91: {  	s19 =	sld [smem:$0x3FC8]  }
0x92: {  	s4 =	sld [smem:$0x3FD0];
	(tm) =	ssettm $0x1  }
0x93: {  	s5 =	sld [smem:$0x3FFB];
	_ =	sdelay $0x3  }
0x94: {  	_ =	strace s5  }
0x95: {  	s5 =	sld [smem:$0x3FFC];
	_ =	sdelay $0x3  }
0x96: {  	_ =	strace s5  }
0x97: {  	s5 =	sld [smem:$0x3FFD];
	_ =	sdelay $0x3  }
0x98: {  	_ =	strace s5  }
0x99: {  	_ =	strace $0x8FFFFFFF  }
0x9a: {  	s20 =	sld [smem:$0x3FDB];
	_ =	sdelay $0x1  }
0x9b: {  	s6 =	simm.s32 $_scs_section_size  }
0x9c: {  	s7 =	simm.s32 $_size__tile_overlayer_lowered;
	s8 =	simm.s32 $_tile_overlayer_lowered  }
0x9d: {  	s23 =	simm.s32 $0x1BFF;
	s22 =	sshll.u32 s8, $0x1;
	s5 =	sadd.s32 s6, s20  }
0x9e: {  	s9 =	simm.s32 $0x0;
	s21 =	sshll.u32 s7, $0x1;
	s7 =	sadd.s32 s22, s5  }
0x9f: {  	[timem:s9], [sflag:s23] =	dma.local [hbm:s7], s21  }
0xa0: {  	_ =	swait.ge [sflag:s23], s21  }
0xa1: {  	s6 =	ssub.s32 $0x0, s21;
	[sflag:s23] =	ssyncset.done $0x0  }
0xa2: {  	[sflag:s23] =	ssyncadd.s32 s6;
	_ =	sdelay $0x1  }
0xa3: {  	s24 =	simm.s32 $0x1B8B  }
0xa4: {  	_ =	swait.ge [sflag:s24], $0x1  }
0xa5: {  	[sflag:s24] =	ssyncset.done $0x0  }
0xa6: {  	s25 =	simm.s32 $0x1B8E;
	[sflag:s24] =	ssyncadd.s32 $0xFFFFFFFF  }
0xa7: {  	s26 =	simm.s32 $execute0_lowered;
	[smem:$0x3FD2] =	sst s25  }
0xa8: {  	s6 =	sshll.u32 s26, $0x1;
	_ =	strace $0x80000046;
	[dreg:$0x1] =	wrdreg $0xFFFFFFFF  }
0xa9: {  	s28 =	simm.s32 $_size_execute0_lowered;
	s5 =	sadd.s32 s5, s6;
	[dreg:$0x0] =	wrdreg $0x0  }
0xaa: {  	s6 =	sshll.u32 s28, $0x1;
	[dreg:$0x2] =	wrdreg s5  }
0xab: {  	[dreg:$0x3] =	wrdreg s6  }
0xac: {  	[dreg:$0x4] =	wrdreg $0xC0  }
0xad: {  	_ =	task [dreg:s9], $0x5FFFF  }
0xae: {  	[dreg:$0x1] =	wrdreg $0xFFFFFFFF  }
0xaf: {  	[dreg:$0x0] =	wrdreg $0x60  }
0xb0: {  	[dreg:$0x2] =	wrdreg s2  }
0xb1: {  	[dreg:$0x3] =	wrdreg s19  }
0xb2: {  	[dreg:$0x4] =	wrdreg s4  }
0xb3: {  	[dreg:$0x5] =	wrdreg $0x122800  }
0xb4: {  	[dreg:$0x6] =	wrdreg $0x9  }
0xb5: {  	_ =	task.clear_ibuf [dreg:s9], $0x7FFFF;
	_ =	strace $0x90000046  }
0xb6: {  	s29 =	simm.s32 $0x9;
	_ =	strace $0x80000048  }
0xb7: {  	_ =	swait.ge [sflag:s29], $0x1  }
0xb8: {  	[sflag:s29] =	ssyncadd.s32 $0xFFFFFFFF  }
0xb9: {  	_ =	strace $0x90000048  }
0xba: {  	_ =	sfence  }
0xbb: {  	s30 =	sld [smem:$0x0];
	_ =	sdelay $0x2  }
0xbc: {  	s31 =	sshll.u32 s1, $0xD;
	s1 =	sshrl.u32 s1, $0x2  }
0xbd: {  	s3 =	sand.u32 $0x4000, s31;
	s1 =	sadd.s32 s1, s30  }
0xbe: {  	s0 =	sor.u32 s3, s0;
	s1 =	sshll.u32 s1, $0x11  }
0xbf: {  	s0 =	sor.u32 s1, s0  }
0xc0: {  	s0 =	sadd.s32 $0x8F2B, s0  }
0xc1: {  	[sflag:s0] =	ssyncadd.remote.s32 $0x1  }
0xc2: {  	_ =	sfence.sel $0xFFFF  }
0xc3: {  	[dreg:$0x0] =	wrdreg $0xFFFFFFFF;
	(pc) =	sbr.abs _section_cstart, $3  }
0xc4: {  	[dreg:$0x1] =	wrdreg $0xFFFFFFFF  }
0xc5: {  	_ =	task.clear_ibuf [dreg:s9], $0x2FFFF;
	_ =	strace $0x9FFFFFFF  }
0xc6: {  	(tm) =	ssettm $0x7FFFFFFF  }
0xc7: {  	_ =	shalt  }
tec
execute0_lowered:
.L_overlay_start_1:
0x0: {  	(tag) =	ssettag $0x1  }
0x1: {  	s2 =	rddreg [dreg:$0x0]  }
0x2: {  	s5 =	rddreg [dreg:$0x1]  }
0x3: {  	s1 =	srdreg.scid;
	s6 =	rddreg [dreg:$0x2]  }
0x4: {  	s0 =	stileid.u32;
	s3 =	rddreg [dreg:$0x3]  }
0x5: {  	s4 =	simm.s32 $0x0;
	s22 =	simm.s32 $0x20C0;
	s23 =	simm.s32 $0x2100  }
0x6: {  	s24 =	simm.s32 $0x2140;
	s25 =	simm.s32 $0x2180;
	[smem:$0x7FF] =	sst s4  }
0x7: {  	s1 =	sand.u32 $0x1, s1;
	_ =	strace $0x80000047;
	[dreg:$0xf] =	wrdreg s22  }
0x8: {  	s7 =	sshll.u32 s0, $0xA;
	s11 =	sshll.u32 s0, $0x6;
	[dreg:$0x10] =	wrdreg s23  }
0x9: {  	s8 =	sshll.u32 s1, $0x9;
	s9 =	sor.u32 $0x20, s11;
	[dreg:$0x11] =	wrdreg s24  }
0xa: {  	s15 =	sor.u32 $0x30, s11;
	s18 =	sor.u32 $0x10, s11;
	[dreg:$0x12] =	wrdreg s25  }
0xb: {  	v1 =	vmov s11;
	s11 =	simm.s32 $0x21C0;
	s7 =	sor.u32 s8, s7;
	s10 =	sshll.u32 s9, $0x7  }
0xc: {  	[dreg:$0x13] =	wrdreg s11;
	s8 =	sshrl.u32 s7, $0x3;
	s10 =	sadd.s32 s10, s3  }
0xd: {  	s12 =	sshll.u32 s0, $0xD;
	s5 =	sadd.s32 s5, s8;
	[dreg:$0x7] =	wrdreg s10  }
0xe: {  	v0 =	vmov s15;
	s7 =	sshll.u32 s7, $0x4;
	[dreg:$0x5] =	wrdreg s5;
	s5 =	sadd.s32 s12, s3  }
0xf: {  	v3 =	vlaneseq.u32;
	v2 =	vmov s9;
	v0 =	vmul.u32 $0x401, v0;
	[dreg:$0x6] =	wrdreg s5;
	s5 =	sadd.s32 s6, s7  }
0x10: {  	v3 =	vmul.u32 $0x401, v3;
	v2 =	vmul.u32 $0x401, v2;
	s20 =	rddreg [dreg:$0x5];
	s6 =	sadd.s32 $0x400, s5  }
0x11: {  	v1 =	vmul.u32 $0x401, v1;
	v4 =	vmov s18;
	v0 =	vbroadcast v0, $0x0;
	s13 =	sadd.s32 $0x800, s5;
	[dreg:$0x8] =	wrdreg s6  }
0x12: {  	v4 =	vmul.u32 $0x401, v4;
	v2 =	vbroadcast v2, $0x0;
	s14 =	sadd.s32 $0xC00, s5;
	[dreg:$0x9] =	wrdreg s13;
	s6 =	simm.s32 $0x2080  }
0x13: {  	v5 =	vbroadcast v1, $0x0;
	v0 =	vadd.s32 v3, v0;
	[tilespmem:s6], [sflag:$0x9] =	stream.linear.gather [hbm4b:s20+s4], $0x200, $0x38;
	[tilespmem:$0x14280] =	vst v63  }
0x14: {  	v4 =	vbroadcast v4, $0x0;
	s16 =	sadd.s32 $0x1000, s5;
	v1 =	vadd.s32 v3, v2;
	[dreg:$0xa] =	wrdreg s14;
	[tilespmem:$0x30] =	vst v0  }
0x15: {  	s17 =	sadd.s32 $0x1400, s5;
	v2 =	vadd.s32 v3, v5;
	[dreg:$0xb] =	wrdreg s16;
	[tilespmem:$0x20] =	vst v1  }
0x16: {  	s8 =	simm.s32 $0x80;
	s19 =	sadd.s32 $0x1800, s5;
	v3 =	vadd.s32 v3, v4;
	[dreg:$0xc] =	wrdreg s17;
	[tilespmem:$0x0] =	vst v2  }
0x17: {  	s7 =	simm.s32 $0x20;
	s21 =	sadd.s32 $0x1C00, s5;
	[dreg:$0xd] =	wrdreg s19;
	[tilespmem:$0x10] =	vst v3  }
0x18: {  	[tilespmem:s8], [sflag:$0xA] =	stream.indirect.gather [hbm4b:s2+s7], $0x80, s4, s7, $0xb8;
	[tilespmem:$0x14280] =	vst v63  }
0x19: {  	s9 =	simm.s32 $0x1080;
	s10 =	simm.s32 $0xA;
	[dreg:$0xe] =	wrdreg s21  }
0x1a: {  	[tilespmem:s9], [sflag:$0x1] =	stream.indirect.gather [hbm4b:s2+s7], $0x80, s7, s7, $0xb8;
	[tilespmem:$0x14280] =	vst v63  }
0x1b: {  	_ =	swait.ge [sflag:s10], $0x1000  }
0x1c: {  	[sflag:s10] =	ssyncset.done $0x0  }
0x1d: {  	s11 =	simm.s32 $0x1;
	s12 =	rddreg [dreg:$0x6];
	[sflag:s10] =	ssyncadd.s32 $0xFFFFF000  }
0x1e: {  	[spmem:s12] =	stream.linear.scatter [tilespmem:s8], [sflag:$0x2], $0x1000, $0x38;
	[tilespmem:$0x14280] =	vst v63  }
0x1f: {  	_ =	swait.ge [sflag:s11], $0x1000  }
0x20: {  	[sflag:s11] =	ssyncset.done $0x0  }
0x21: {  	s12 =	simm.s32 $0x2;
	s13 =	rddreg [dreg:$0x7];
	[sflag:s11] =	ssyncadd.s32 $0xFFFFF000  }
0x22: {  	[spmem:s13] =	stream.linear.scatter [tilespmem:s9], [sflag:$0x3], $0x1000, $0x38;
	[tilespmem:$0x14280] =	vst v63  }
0x23: {  	_ =	swait.ge [sflag:s12], $0x1000  }
0x24: {  	[sflag:s12] =	ssyncset.done $0x0  }
0x25: {  	s14 =	simm.s32 $0x3;
	[sflag:s12] =	ssyncadd.s32 $0xFFFFF000  }
0x26: {  	_ =	swait.ge [sflag:s14], $0x1000  }
0x27: {  	[sflag:s14] =	ssyncset.done $0x0  }
0x28: {  	s13 =	simm.s32 $0x9;
	[sflag:s14] =	ssyncadd.s32 $0xFFFFF000  }
0x29: {  	_ =	swait.ge [sflag:s13], $0x200  }
0x2a: {  	[sflag:s13] =	ssyncset.done $0x0  }
0x2b: {  	[sflag:s13] =	ssyncadd.s32 $0xFFFFFE00  }
0x2c: {  	s15 =	simm.s32 $0x40;
	s16 =	simm.s32 $0x2280;
	[bflag:$0x0] =	sbarrier.arrive $0xFFFF  }
0x2d: {  	[tilespmem:s16], [sflag:$0x1] =	stream.indirect.gather [spmem:s3], $0x80, s6, s15, $0xb8;
	[tilespmem:$0x14280] =	vst v63  }
0x2e: {  	s17 =	simm.s32 $0x4280;
	s18 =	rddreg [dreg:$0xf]  }
0x2f: {  	[tilespmem:s17], [sflag:$0x2] =	stream.indirect.gather [spmem:s3], $0x80, s18, s15, $0xb8;
	[tilespmem:$0x14280] =	vst v63  }
0x30: {  	s19 =	rddreg [dreg:$0x10];
	s18 =	simm.s32 $0x6280  }
0x31: {  	[tilespmem:s18], [sflag:$0x3] =	stream.indirect.gather [spmem:s3], $0x80, s19, s15, $0xb8;
	[tilespmem:$0x14280] =	vst v63  }
0x32: {  	s20 =	rddreg [dreg:$0x11];
	s19 =	simm.s32 $0x8280  }
0x33: {  	[tilespmem:s19], [sflag:$0x4] =	stream.indirect.gather [spmem:s3], $0x80, s20, s15, $0xb8;
	[tilespmem:$0x14280] =	vst v63  }
0x34: {  	s21 =	rddreg [dreg:$0x12];
	s20 =	simm.s32 $0xA280  }
0x35: {  	[tilespmem:s20], [sflag:$0x5] =	stream.indirect.gather [spmem:s3], $0x80, s21, s15, $0xb8;
	[tilespmem:$0x14280] =	vst v63  }
0x36: {  	s22 =	rddreg [dreg:$0x13];
	s21 =	simm.s32 $0xC280  }
0x37: {  	[tilespmem:s21], [sflag:$0x6] =	stream.indirect.gather [spmem:s3], $0x80, s22, s15, $0xb8;
	[tilespmem:$0x14280] =	vst v63  }
0x38: {  	s26 =	simm.s32 $0x2200;
	s23 =	simm.s32 $0xE280  }
0x39: {  	[tilespmem:s23], [sflag:$0x7] =	stream.indirect.gather [spmem:s3], $0x80, s26, s15, $0xb8;
	[tilespmem:$0x14280] =	vst v63  }
0x3a: {  	s24 =	simm.s32 $0x2240;
	s25 =	simm.s32 $0x10280  }
0x3b: {  	[tilespmem:s25], [sflag:$0x8] =	stream.indirect.gather [spmem:s3], $0x80, s24, s15, $0xb8;
	[tilespmem:$0x14280] =	vst v63  }
0x3c: {  	_ =	swait.ge [sflag:s11], $0x2000  }
0x3d: {  	[sflag:s11] =	ssyncset.done $0x0  }
0x3e: {  	[sflag:s11] =	ssyncadd.s32 $0xFFFFE000  }
0x3f: {  	[hbm4b:s5+s4] =	stream.linear.scatter [tilespmem:s16], [sflag:$0x9], $0x2000, $0x38;
	[tilespmem:$0x14280] =	vst v63  }
0x40: {  	_ =	swait.ge [sflag:s12], $0x2000  }
0x41: {  	[sflag:s12] =	ssyncset.done $0x0  }
0x42: {  	s26 =	rddreg [dreg:$0x8];
	[sflag:s12] =	ssyncadd.s32 $0xFFFFE000  }
0x43: {  	[hbm4b:s26+s4] =	stream.linear.scatter [tilespmem:s17], [sflag:$0x9], $0x2000, $0x38;
	[tilespmem:$0x14280] =	vst v63  }
0x44: {  	_ =	swait.ge [sflag:s14], $0x2000  }
0x45: {  	[sflag:s14] =	ssyncset.done $0x0  }
0x46: {  	s26 =	simm.s32 $0x4;
	s0 =	rddreg [dreg:$0x9];
	[sflag:s14] =	ssyncadd.s32 $0xFFFFE000  }
0x47: {  	[hbm4b:s0+s4] =	stream.linear.scatter [tilespmem:s18], [sflag:$0x9], $0x2000, $0x38;
	[tilespmem:$0x14280] =	vst v63  }
0x48: {  	_ =	swait.ge [sflag:s26], $0x2000  }
0x49: {  	[sflag:s26] =	ssyncset.done $0x0  }
0x4a: {  	s28 =	rddreg [dreg:$0xa];
	[sflag:s26] =	ssyncadd.s32 $0xFFFFE000  }
0x4b: {  	[hbm4b:s28+s4] =	stream.linear.scatter [tilespmem:s19], [sflag:$0x9], $0x2000, $0x38;
	[tilespmem:$0x14280] =	vst v63  }
0x4c: {  	s28 =	simm.s32 $0x5  }
0x4d: {  	_ =	swait.ge [sflag:s28], $0x2000  }
0x4e: {  	[sflag:s28] =	ssyncset.done $0x0  }
0x4f: {  	s29 =	rddreg [dreg:$0xb];
	[sflag:s28] =	ssyncadd.s32 $0xFFFFE000  }
0x50: {  	[hbm4b:s29+s4] =	stream.linear.scatter [tilespmem:s20], [sflag:$0x9], $0x2000, $0x38;
	[tilespmem:$0x14280] =	vst v63  }
0x51: {  	s29 =	simm.s32 $0x6  }
0x52: {  	_ =	swait.ge [sflag:s29], $0x2000  }
0x53: {  	[sflag:s29] =	ssyncset.done $0x0  }
0x54: {  	s30 =	rddreg [dreg:$0xc];
	[sflag:s29] =	ssyncadd.s32 $0xFFFFE000  }
0x55: {  	[hbm4b:s30+s4] =	stream.linear.scatter [tilespmem:s21], [sflag:$0x9], $0x2000, $0x38;
	[tilespmem:$0x14280] =	vst v63  }
0x56: {  	s30 =	simm.s32 $0x7  }
0x57: {  	_ =	swait.ge [sflag:s30], $0x2000  }
0x58: {  	[sflag:s30] =	ssyncset.done $0x0  }
0x59: {  	s31 =	rddreg [dreg:$0xd];
	[sflag:s30] =	ssyncadd.s32 $0xFFFFE000  }
0x5a: {  	[hbm4b:s31+s4] =	stream.linear.scatter [tilespmem:s23], [sflag:$0x9], $0x2000, $0x38;
	[tilespmem:$0x14280] =	vst v63  }
0x5b: {  	s31 =	simm.s32 $0x8  }
0x5c: {  	_ =	swait.ge [sflag:s31], $0x2000  }
0x5d: {  	[sflag:s31] =	ssyncset.done $0x0  }
0x5e: {  	s22 =	rddreg [dreg:$0xe];
	[sflag:s31] =	ssyncadd.s32 $0xFFFFE000  }
0x5f: {  	[hbm4b:s22+s4] =	stream.linear.scatter [tilespmem:s25], [sflag:$0x9], $0x2000, $0x38;
	[tilespmem:$0x14280] =	vst v63  }
0x60: {  	_ =	swait.ge [sflag:s13], $0x2000  }
0x61: {  	[sflag:s13] =	ssyncset.done $0x0  }
0x62: {  	[sflag:s13] =	ssyncadd.s32 $0xFFFFE000  }
0x63: {  	_ =	swait.ge [sflag:s13], $0x2000  }
0x64: {  	[sflag:s13] =	ssyncset.done $0x0  }
0x65: {  	[sflag:s13] =	ssyncadd.s32 $0xFFFFE000  }
0x66: {  	_ =	swait.ge [sflag:s13], $0x2000  }
0x67: {  	[sflag:s13] =	ssyncset.done $0x0  }
0x68: {  	[sflag:s13] =	ssyncadd.s32 $0xFFFFE000  }
0x69: {  	_ =	swait.ge [sflag:s13], $0x2000  }
0x6a: {  	s22 =	ssub.s32 $0x2, s1;
	[sflag:s13] =	ssyncset.done $0x0  }
0x6b: {  	s1 =	sshrl.u32 s22, $0x1;
	[sflag:s13] =	ssyncadd.s32 $0xFFFFE000  }
0x6c: {  	s0 =	ssub.s32 s22, s1;
	_ =	swait.ge [sflag:s13], $0x2000  }
0x6d: {  	s0 =	smax.u32 s0, $0x1;
	[sflag:s13] =	ssyncset.done $0x0  }
0x6e: {  	p0 =	sne.s32 s0, $0x1;
	[sflag:s13] =	ssyncadd.s32 $0xFFFFE000  }
.Ltmp0:
0x6f: {  	_ =	swait.ge [sflag:s13], $0x2000;
	(pc) =	sbr.rel @!p0 .LBB2_2-.Ltmp0, $4  }
0x70: {  	[sflag:s13] =	ssyncset.done $0x0  }
0x71: {  	[sflag:s13] =	ssyncadd.s32 $0xFFFFE000  }
0x72: {  	_ =	swait.ge [sflag:s13], $0x2000  }
0x73: {  	s1 =	sadd.s32 $0xFFFFFFFF, s0;
	[sflag:s13] =	ssyncset.done $0x0  }
.LBB2_1:
0x74: {  	[sflag:s13] =	ssyncadd.s32 $0xFFFFE000  }
0x75: {  	_ =	swait.ge [sflag:s13], $0x2000  }
0x76: {  	[sflag:s13] =	ssyncset.done $0x0  }
0x77: {  	s0 =	rddreg [dreg:$0x5];
	[sflag:s13] =	ssyncadd.s32 $0xFFFFE000  }
0x78: {  	[tilespmem:s6], [sflag:$0x9] =	stream.linear.gather [hbm4b:s0+s4], $0x200, $0x38;
	[tilespmem:$0x14280] =	vst v63  }
0x79: {  	[tilespmem:$0x30] =	vst v0  }
0x7a: {  	[tilespmem:$0x20] =	vst v1  }
0x7b: {  	[tilespmem:$0x0] =	vst v2  }
0x7c: {  	[tilespmem:$0x10] =	vst v3  }
0x7d: {  	[tilespmem:s8], [sflag:$0xA] =	stream.indirect.gather [hbm4b:s2+s7], $0x80, s4, s7, $0xb8;
	[tilespmem:$0x14280] =	vst v63  }
0x7e: {  	_ = 	snop  }
0x7f: {  	[tilespmem:s9], [sflag:$0x1] =	stream.indirect.gather [hbm4b:s2+s7], $0x80, s7, s7, $0xb8;
	[tilespmem:$0x14280] =	vst v63  }
0x80: {  	_ =	swait.ge [sflag:s10], $0x1000  }
0x81: {  	[sflag:s10] =	ssyncset.done $0x0  }
0x82: {  	s22 =	rddreg [dreg:$0x6];
	[sflag:s10] =	ssyncadd.s32 $0xFFFFF000  }
0x83: {  	[spmem:s22] =	stream.linear.scatter [tilespmem:s8], [sflag:$0x2], $0x1000, $0x38;
	[tilespmem:$0x14280] =	vst v63  }
0x84: {  	_ =	swait.ge [sflag:s11], $0x1000  }
0x85: {  	[sflag:s11] =	ssyncset.done $0x0  }
0x86: {  	s22 =	rddreg [dreg:$0x7];
	[sflag:s11] =	ssyncadd.s32 $0xFFFFF000  }
0x87: {  	[spmem:s22] =	stream.linear.scatter [tilespmem:s9], [sflag:$0x3], $0x1000, $0x38;
	[tilespmem:$0x14280] =	vst v63  }
0x88: {  	_ =	swait.ge [sflag:s12], $0x1000  }
0x89: {  	[sflag:s12] =	ssyncset.done $0x0  }
0x8a: {  	[sflag:s12] =	ssyncadd.s32 $0xFFFFF000  }
0x8b: {  	_ =	swait.ge [sflag:s14], $0x1000  }
0x8c: {  	[sflag:s14] =	ssyncset.done $0x0  }
0x8d: {  	[sflag:s14] =	ssyncadd.s32 $0xFFFFF000  }
0x8e: {  	_ =	swait.ge [sflag:s13], $0x200  }
0x8f: {  	[sflag:s13] =	ssyncset.done $0x0  }
0x90: {  	[sflag:s13] =	ssyncadd.s32 $0xFFFFFE00  }
0x91: {  	[bflag:$0x0] =	sbarrier.arrive $0xFFFF  }
0x92: {  	[tilespmem:s16], [sflag:$0x1] =	stream.indirect.gather [spmem:s3], $0x80, s6, s15, $0xb8;
	[tilespmem:$0x14280] =	vst v63  }
0x93: {  	s0 =	rddreg [dreg:$0xf]  }
0x94: {  	[tilespmem:s17], [sflag:$0x2] =	stream.indirect.gather [spmem:s3], $0x80, s0, s15, $0xb8;
	[tilespmem:$0x14280] =	vst v63  }
0x95: {  	s22 =	rddreg [dreg:$0x10]  }
0x96: {  	[tilespmem:s18], [sflag:$0x3] =	stream.indirect.gather [spmem:s3], $0x80, s22, s15, $0xb8;
	[tilespmem:$0x14280] =	vst v63  }
0x97: {  	s0 =	rddreg [dreg:$0x11]  }
0x98: {  	[tilespmem:s19], [sflag:$0x4] =	stream.indirect.gather [spmem:s3], $0x80, s0, s15, $0xb8;
	[tilespmem:$0x14280] =	vst v63  }
0x99: {  	s22 =	rddreg [dreg:$0x12]  }
0x9a: {  	[tilespmem:s20], [sflag:$0x5] =	stream.indirect.gather [spmem:s3], $0x80, s22, s15, $0xb8;
	[tilespmem:$0x14280] =	vst v63  }
0x9b: {  	s0 =	rddreg [dreg:$0x13]  }
0x9c: {  	[tilespmem:s21], [sflag:$0x6] =	stream.indirect.gather [spmem:s3], $0x80, s0, s15, $0xb8;
	[tilespmem:$0x14280] =	vst v63  }
0x9d: {  	s22 =	simm.s32 $0x2200  }
0x9e: {  	[tilespmem:s23], [sflag:$0x7] =	stream.indirect.gather [spmem:s3], $0x80, s22, s15, $0xb8;
	[tilespmem:$0x14280] =	vst v63  }
0x9f: {  	_ = 	snop  }
0xa0: {  	[tilespmem:s25], [sflag:$0x8] =	stream.indirect.gather [spmem:s3], $0x80, s24, s15, $0xb8;
	[tilespmem:$0x14280] =	vst v63  }
0xa1: {  	_ =	swait.ge [sflag:s11], $0x2000  }
0xa2: {  	[sflag:s11] =	ssyncset.done $0x0  }
0xa3: {  	[sflag:s11] =	ssyncadd.s32 $0xFFFFE000  }
0xa4: {  	[hbm4b:s5+s4] =	stream.linear.scatter [tilespmem:s16], [sflag:$0x9], $0x2000, $0x38;
	[tilespmem:$0x14280] =	vst v63  }
0xa5: {  	_ =	swait.ge [sflag:s12], $0x2000  }
0xa6: {  	[sflag:s12] =	ssyncset.done $0x0  }
0xa7: {  	s22 =	rddreg [dreg:$0x8];
	[sflag:s12] =	ssyncadd.s32 $0xFFFFE000  }
0xa8: {  	[hbm4b:s22+s4] =	stream.linear.scatter [tilespmem:s17], [sflag:$0x9], $0x2000, $0x38;
	[tilespmem:$0x14280] =	vst v63  }
0xa9: {  	_ =	swait.ge [sflag:s14], $0x2000  }
0xaa: {  	[sflag:s14] =	ssyncset.done $0x0  }
0xab: {  	s22 =	rddreg [dreg:$0x9];
	[sflag:s14] =	ssyncadd.s32 $0xFFFFE000  }
0xac: {  	[hbm4b:s22+s4] =	stream.linear.scatter [tilespmem:s18], [sflag:$0x9], $0x2000, $0x38;
	[tilespmem:$0x14280] =	vst v63  }
0xad: {  	_ =	swait.ge [sflag:s26], $0x2000  }
0xae: {  	[sflag:s26] =	ssyncset.done $0x0  }
0xaf: {  	s22 =	rddreg [dreg:$0xa];
	[sflag:s26] =	ssyncadd.s32 $0xFFFFE000  }
0xb0: {  	[hbm4b:s22+s4] =	stream.linear.scatter [tilespmem:s19], [sflag:$0x9], $0x2000, $0x38;
	[tilespmem:$0x14280] =	vst v63  }
0xb1: {  	_ =	swait.ge [sflag:s28], $0x2000  }
0xb2: {  	[sflag:s28] =	ssyncset.done $0x0  }
0xb3: {  	s22 =	rddreg [dreg:$0xb];
	[sflag:s28] =	ssyncadd.s32 $0xFFFFE000  }
0xb4: {  	[hbm4b:s22+s4] =	stream.linear.scatter [tilespmem:s20], [sflag:$0x9], $0x2000, $0x38;
	[tilespmem:$0x14280] =	vst v63  }
0xb5: {  	_ =	swait.ge [sflag:s29], $0x2000  }
0xb6: {  	[sflag:s29] =	ssyncset.done $0x0  }
0xb7: {  	s22 =	rddreg [dreg:$0xc];
	[sflag:s29] =	ssyncadd.s32 $0xFFFFE000  }
0xb8: {  	[hbm4b:s22+s4] =	stream.linear.scatter [tilespmem:s21], [sflag:$0x9], $0x2000, $0x38;
	[tilespmem:$0x14280] =	vst v63  }
0xb9: {  	_ =	swait.ge [sflag:s30], $0x2000  }
0xba: {  	[sflag:s30] =	ssyncset.done $0x0  }
0xbb: {  	s22 =	rddreg [dreg:$0xd];
	[sflag:s30] =	ssyncadd.s32 $0xFFFFE000  }
0xbc: {  	[hbm4b:s22+s4] =	stream.linear.scatter [tilespmem:s23], [sflag:$0x9], $0x2000, $0x38;
	[tilespmem:$0x14280] =	vst v63  }
0xbd: {  	_ =	swait.ge [sflag:s31], $0x2000  }
0xbe: {  	[sflag:s31] =	ssyncset.done $0x0  }
0xbf: {  	s22 =	rddreg [dreg:$0xe];
	[sflag:s31] =	ssyncadd.s32 $0xFFFFE000  }
0xc0: {  	[hbm4b:s22+s4] =	stream.linear.scatter [tilespmem:s25], [sflag:$0x9], $0x2000, $0x38;
	[tilespmem:$0x14280] =	vst v63  }
0xc1: {  	_ =	swait.ge [sflag:s13], $0x2000  }
0xc2: {  	[sflag:s13] =	ssyncset.done $0x0  }
0xc3: {  	[sflag:s13] =	ssyncadd.s32 $0xFFFFE000  }
0xc4: {  	_ =	swait.ge [sflag:s13], $0x2000  }
0xc5: {  	[sflag:s13] =	ssyncset.done $0x0  }
0xc6: {  	[sflag:s13] =	ssyncadd.s32 $0xFFFFE000  }
0xc7: {  	_ =	swait.ge [sflag:s13], $0x2000  }
0xc8: {  	[sflag:s13] =	ssyncset.done $0x0  }
0xc9: {  	[sflag:s13] =	ssyncadd.s32 $0xFFFFE000  }
0xca: {  	_ =	swait.ge [sflag:s13], $0x2000  }
0xcb: {  	[sflag:s13] =	ssyncset.done $0x0  }
0xcc: {  	[sflag:s13] =	ssyncadd.s32 $0xFFFFE000  }
0xcd: {  	_ =	swait.ge [sflag:s13], $0x2000  }
0xce: {  	[sflag:s13] =	ssyncset.done $0x0  }
0xcf: {  	p0 =	sne.s32 s1, $0x1;
	[sflag:s13] =	ssyncadd.s32 $0xFFFFE000  }
.Ltmp1:
0xd0: {  	_ =	swait.ge [sflag:s13], $0x2000;
	(pc) =	sbr.rel @p0 .LBB2_1-.Ltmp1, $4  }
0xd1: {  	[sflag:s13] =	ssyncset.done $0x0  }
0xd2: {  	[sflag:s13] =	ssyncadd.s32 $0xFFFFE000  }
0xd3: {  	_ =	swait.ge [sflag:s13], $0x2000  }
0xd4: {  	s1 =	sadd.s32 $0xFFFFFFFF, s1;
	[sflag:s13] =	ssyncset.done $0x0  }
.LBB2_2:
0xd5: {  	[sflag:s13] =	ssyncadd.s32 $0xFFFFE000  }
0xd6: {  	_ =	swait.ge [sflag:s13], $0x2000  }
0xd7: {  	[sflag:s13] =	ssyncset.done $0x0  }
0xd8: {  	[sflag:s13] =	ssyncadd.s32 $0xFFFFE000  }
0xd9: {  	_ =	sfence.sel $0x180000  }
0xda: {  	[bflag:$0x0] =	sbarrier.arrive $0xFFFF  }
0xdb: {  	_ =	strace $0x90000047  }
0xdc: {  	s0 =	stileid.u32;
	[bflag:$0x2] =	sbarrier.arrive $0xFFFF  }
0xdd: {  	p0 =	sne.s32 s0, $0x0;
	s0 =	rddreg [dreg:$0x4]  }
0xde: {  	s0 =	sadd.s32 @!p0 $0x100000, s0  }
0xdf: {  	[sflag:s0] =	ssyncadd.tile.s32 @!p0 $0x1;
	_ =	shalt  }
.Lfunc_end2:
_tile_overlayer_lowered:
.L_overlay_start_2:
0xe0: {  	(tag) =	ssettag $0x2  }
0xe1: {  	s0 =	rddreg [dreg:$0x0];
	s2 =	stileid.u32  }
0xe2: {  	s1 =	rddreg [dreg:$0x1];
	p0 =	sne.s32 s2, $0x0  }
0xe3: {  	s3 =	rddreg [dreg:$0x2];
	[bflag:$0x3] =	sbarrier.arrive $0xFFFF;
	s2 =	simm.s32 @!p0 $0x1C0B  }
0xe4: {  	[timem:s3], [sflag:s2] =	dma.local @!p0 [hbm:s0], s1  }
0xe5: {  	s0 =	simm.s32 @!p0 $0xB  }
0xe6: {  	_ =	swait.ge @!p0 [sflag:s0], s1  }
0xe7: {  	s1 =	ssub.s32 @!p0 $0x0, s1;
	[sflag:s0] =	ssyncset.done @!p0 $0x0  }
0xe8: {  	[sflag:s0] =	ssyncadd.s32 @!p0 s1  }
0xe9: {  	[bflag:$0x3] =	sbarrier.arrive $0xFFFF  }
0xea: {  	_ =	shalt  }

</sc_bundles>
